<compile_context>
chip_gen: v7x
topology: tpu7x:2x2x1
jax: 0.10.2.dev20260603
libtpu: 0.0.44.dev20260713+nightly
codegen_flags: <defaults>
</compile_context>

<pallas_src>
import jax
import jax.numpy as jnp
from jax import lax
from jax.experimental import pallas as pl
from jax.experimental.pallas import tpu as pltpu
from jax.experimental.pallas import tpu_sc as plsc

VOCAB = 1000000
D = 64
B = 4096
T = 200
N = B * T

NC = 2
NS = 16
NW = NC * NS
PER_W = N // NW
CHUNK = 128
NCHUNKS = PER_W // CHUNK
NBUF = 8
NGROUPS = NCHUNKS // NBUF
K = NBUF - 2


def _embed_body(x_hbm, table_hbm, out_hbm, idx_v, rows_v, *sems):
    sem_g = sems[:NBUF]
    sem_s = sems[NBUF:]
    wid = lax.axis_index("s") * NC + lax.axis_index("c")
    base = wid * PER_W

    pltpu.sync_copy(x_hbm.at[pl.ds(base, PER_W)], idx_v)

    def g_copy(j, b):
        return pltpu.make_async_copy(
            table_hbm.at[idx_v.at[pl.ds(j * CHUNK, CHUNK)]],
            rows_v.at[b],
            sem_g[b],
        )

    def s_copy(j, b):
        return pltpu.make_async_copy(
            rows_v.at[b],
            out_hbm.at[pl.ds(base + j * CHUNK, CHUNK)],
            sem_s[b],
        )

    def step(j, b, wait_s, issue):
        g_copy(j, b).wait()
        s_copy(j, b).start()
        if issue:
            b2 = (b + K) % NBUF
            if wait_s:
                s_copy(j + K - NBUF, b2).wait()
            g_copy(j + K, b2).start()

    for j in range(K):
        g_copy(j, j % NBUF).start()

    for b in range(NBUF):
        step(b, b, wait_s=(b + K - NBUF >= 0), issue=True)

    def group(io, _):
        for b in range(NBUF):
            step(io * NBUF + b, b, wait_s=True, issue=True)
        return 0

    lax.fori_loop(1, NGROUPS - 1, group, 0)

    j0 = (NGROUPS - 1) * NBUF
    for b in range(NBUF):
        j = j0 + b
        step(j, b, wait_s=True, issue=(j + K < NCHUNKS))

    for b in range(NBUF):
        s_copy(j0 + b, b).wait()


@jax.jit
def _embed(x_flat, table):
    mesh = plsc.VectorSubcoreMesh(core_axis_name="c", subcore_axis_name="s")
    f = pl.kernel(
        _embed_body,
        out_type=jax.ShapeDtypeStruct((N, D), jnp.float32),
        mesh=mesh,
        scratch_types=[
            pltpu.VMEM((PER_W,), jnp.int32),
            pltpu.VMEM((NBUF, CHUNK, D), jnp.float32),
        ] + [pltpu.SemaphoreType.DMA] * (2 * NBUF),
        compiler_params=pltpu.CompilerParams(use_tc_tiling_on_sc=False),
    )
    return f(x_flat, table)


def kernel(x, table):
    x_flat = x.reshape(-1).astype(jnp.int32)
    out = _embed(x_flat, table)
    return out.reshape(B, T, D)

# --- scband reference (transcript-rebuilt; emitter-appended) ---
"""Pipeline reference for scband-embedder-17884243821212 (READ-ONLY COPY).

The authoritative reference and input builder live on the scoring server;
editing this copy changes nothing except your own understanding.
"""

import jax, jax.numpy as jnp
import numpy as np

VOCAB = 1000000
D_MODEL = 64
B = 4096
T = 200

def setup_inputs(seed: int = 0) -> dict:
    key = jax.random.key(seed)
    k_idx, k_tab = jax.random.split(key)
    x = jax.random.randint(k_idx, (B, T), 0, VOCAB, dtype=jnp.int64)
    # nn.Embedding default init: N(0, 1)
    table = jax.random.normal(k_tab, (VOCAB, D_MODEL), dtype=jnp.float32)
    return {"x": x, "table": table}

def reference(x, table):
    # Embedder.forward with EmbedderType.TOKEN: embedding lookup
    # token_embedding(x.long()) -> table[x]
    idx = x.astype(jnp.int64)
    out = jnp.take(table, idx, axis=0)  # (B, T, D_MODEL)
    return out

if __name__ == "__main__":
    import jax
    _d = setup_inputs()
    print(jax.jit(kernel)(*tuple(_d.values())))

</pallas_src>

<mosaic_0001>
#map = affine_map<(d0, d1) -> (0)>
#map1 = affine_map<(d0, d1) -> (0, 0)>
module attributes {stable_mosaic.version = 14 : i64} {
  func.func @_embed_body(%arg0: i32, %arg1: i32, %arg2: memref<819200xi32, #tpu.memory_space<hbm>>, %arg3: memref<1000000x64xf32, #tpu.memory_space<hbm>>, %arg4: memref<819200x64xf32, #tpu.memory_space<hbm>>, %arg5: memref<25600xi32, #tpu.memory_space<vmem>>, %arg6: memref<8x128x64xf32, #tpu.memory_space<vmem>>, %arg7: memref<!tpu.dma_semaphore, #tpu.memory_space<semaphore_mem>>, %arg8: memref<!tpu.dma_semaphore, #tpu.memory_space<semaphore_mem>>, %arg9: memref<!tpu.dma_semaphore, #tpu.memory_space<semaphore_mem>>, %arg10: memref<!tpu.dma_semaphore, #tpu.memory_space<semaphore_mem>>, %arg11: memref<!tpu.dma_semaphore, #tpu.memory_space<semaphore_mem>>, %arg12: memref<!tpu.dma_semaphore, #tpu.memory_space<semaphore_mem>>, %arg13: memref<!tpu.dma_semaphore, #tpu.memory_space<semaphore_mem>>, %arg14: memref<!tpu.dma_semaphore, #tpu.memory_space<semaphore_mem>>, %arg15: memref<!tpu.dma_semaphore, #tpu.memory_space<semaphore_mem>>, %arg16: memref<!tpu.dma_semaphore, #tpu.memory_space<semaphore_mem>>, %arg17: memref<!tpu.dma_semaphore, #tpu.memory_space<semaphore_mem>>, %arg18: memref<!tpu.dma_semaphore, #tpu.memory_space<semaphore_mem>>, %arg19: memref<!tpu.dma_semaphore, #tpu.memory_space<semaphore_mem>>, %arg20: memref<!tpu.dma_semaphore, #tpu.memory_space<semaphore_mem>>, %arg21: memref<!tpu.dma_semaphore, #tpu.memory_space<semaphore_mem>>, %arg22: memref<!tpu.dma_semaphore, #tpu.memory_space<semaphore_mem>>) attributes {dimension_semantics = [#tpu.dimension_semantics<core_parallel>, #tpu.dimension_semantics<subcore_parallel>], iteration_bounds = array<i64: 2, 16>, scalar_prefetch = 0 : i64, scratch_operands = 18 : i64, tpu.core_type = #tpu.core_type<sc_vector_subcore>, window_params = [{transform_indices = #map}, {transform_indices = #map1}, {transform_indices = #map1}]} {
    %mul3A = arith.constant 2 : i32
    %mul3A_0 = arith.muli %arg1, %mul3A : i32
    %add3A = arith.addi %mul3A_0, %arg0 : i32
    %mul3A_1 = arith.constant 25600 : i32
    %mul3A_2 = arith.muli %add3A, %mul3A_1 : i32
    "tpu.region"() ({
      %run_scoped3A = tpu.sem_alloc : memref<!tpu.dma_semaphore, #tpu.memory_space<semaphore_mem>>
      %dma_start3A_807 = tpu.memref_slice %arg2[%mul3A_2] : memref<819200xi32, #tpu.memory_space<hbm>> -> memref<25600xi32, #tpu.memory_space<hbm>>
      %dma_start3A_808 = tpu.memref_slice %arg2[%mul3A_2] : memref<819200xi32, #tpu.memory_space<hbm>> -> memref<25600xi32, #tpu.memory_space<hbm>>
      tpu.enqueue_dma source(%dma_start3A_808 : memref<25600xi32, #tpu.memory_space<hbm>>) target(%arg5 : memref<25600xi32, #tpu.memory_space<vmem>>) target_semaphore(%run_scoped3A : memref<!tpu.dma_semaphore, #tpu.memory_space<semaphore_mem>>)
      %dma_wait3A_809 = tpu.memref_slice %arg2[%mul3A_2] : memref<819200xi32, #tpu.memory_space<hbm>> -> memref<25600xi32, #tpu.memory_space<hbm>>
      %dma_wait3A_810 = tpu.memref_slice %arg2[%mul3A_2] : memref<819200xi32, #tpu.memory_space<hbm>> -> memref<25600xi32, #tpu.memory_space<hbm>>
      tpu.wait_dma2 semaphore(%run_scoped3A : memref<!tpu.dma_semaphore, #tpu.memory_space<semaphore_mem>>) src(%dma_wait3A_810 : memref<25600xi32, #tpu.memory_space<hbm>>) dst(%arg5 : memref<25600xi32, #tpu.memory_space<vmem>>)
      tpu.yield
    }) : () -> ()
    %dma_start3A = arith.constant 0 : i32
    %dma_start3A_3 = arith.constant 0 : i32
    %dma_start3A_4 = arith.constant 0 : i32
    %dma_start3A_5 = tpu.memref_slice %arg6[%dma_start3A, %dma_start3A_3, %dma_start3A_4] : memref<8x128x64xf32, #tpu.memory_space<vmem>> -> memref<1x128x64xf32, #tpu.memory_space<vmem>>
    %dma_start3A_6 = tpu.memref_squeeze %dma_start3A_5 : memref<1x128x64xf32, #tpu.memory_space<vmem>> -> memref<128x64xf32, #tpu.memory_space<vmem>>
    %dma_start3A_7 = arith.constant 0 : i32
    %dma_start3A_8 = tpu.memref_slice %arg5[%dma_start3A_7] : memref<25600xi32, #tpu.memory_space<vmem>> -> memref<128xi32, #tpu.memory_space<vmem>>
    %dma_start3A_9 = arith.constant 0 : i32
    %dma_start3A_10 = arith.constant 0 : i32
    %dma_start3A_11 = tpu.memref_slice %arg3[%dma_start3A_9, %dma_start3A_10] : memref<1000000x64xf32, #tpu.memory_space<hbm>> -> memref<1000000x64xf32, #tpu.memory_space<hbm>>
    tpu.enqueue_indirect_dma source(%dma_start3A_11 : memref<1000000x64xf32, #tpu.memory_space<hbm>>) target(%dma_start3A_6 : memref<128x64xf32, #tpu.memory_space<vmem>>) offsets(%dma_start3A_8 : memref<128xi32, #tpu.memory_space<vmem>>) semaphore(%arg7 : memref<!tpu.dma_semaphore, #tpu.memory_space<semaphore_mem>>)
    %dma_start3A_12 = arith.constant 1 : i32
    %dma_start3A_13 = arith.constant 0 : i32
    %dma_start3A_14 = arith.constant 0 : i32
    %dma_start3A_15 = tpu.memref_slice %arg6[%dma_start3A_12, %dma_start3A_13, %dma_start3A_14] : memref<8x128x64xf32, #tpu.memory_space<vmem>> -> memref<1x128x64xf32, #tpu.memory_space<vmem>>
    %dma_start3A_16 = tpu.memref_squeeze %dma_start3A_15 : memref<1x128x64xf32, #tpu.memory_space<vmem>> -> memref<128x64xf32, #tpu.memory_space<vmem>>
    %dma_start3A_17 = arith.constant 128 : i32
    %dma_start3A_18 = tpu.memref_slice %arg5[%dma_start3A_17] : memref<25600xi32, #tpu.memory_space<vmem>> -> memref<128xi32, #tpu.memory_space<vmem>>
    %dma_start3A_19 = arith.constant 0 : i32
    %dma_start3A_20 = arith.constant 0 : i32
    %dma_start3A_21 = tpu.memref_slice %arg3[%dma_start3A_19, %dma_start3A_20] : memref<1000000x64xf32, #tpu.memory_space<hbm>> -> memref<1000000x64xf32, #tpu.memory_space<hbm>>
    tpu.enqueue_indirect_dma source(%dma_start3A_21 : memref<1000000x64xf32, #tpu.memory_space<hbm>>) target(%dma_start3A_16 : memref<128x64xf32, #tpu.memory_space<vmem>>) offsets(%dma_start3A_18 : memref<128xi32, #tpu.memory_space<vmem>>) semaphore(%arg8 : memref<!tpu.dma_semaphore, #tpu.memory_space<semaphore_mem>>)
    %dma_start3A_22 = arith.constant 2 : i32
    %dma_start3A_23 = arith.constant 0 : i32
    %dma_start3A_24 = arith.constant 0 : i32
    %dma_start3A_25 = tpu.memref_slice %arg6[%dma_start3A_22, %dma_start3A_23, %dma_start3A_24] : memref<8x128x64xf32, #tpu.memory_space<vmem>> -> memref<1x128x64xf32, #tpu.memory_space<vmem>>
    %dma_start3A_26 = tpu.memref_squeeze %dma_start3A_25 : memref<1x128x64xf32, #tpu.memory_space<vmem>> -> memref<128x64xf32, #tpu.memory_space<vmem>>
    %dma_start3A_27 = arith.constant 256 : i32
    %dma_start3A_28 = tpu.memref_slice %arg5[%dma_start3A_27] : memref<25600xi32, #tpu.memory_space<vmem>> -> memref<128xi32, #tpu.memory_space<vmem>>
    %dma_start3A_29 = arith.constant 0 : i32
    %dma_start3A_30 = arith.constant 0 : i32
    %dma_start3A_31 = tpu.memref_slice %arg3[%dma_start3A_29, %dma_start3A_30] : memref<1000000x64xf32, #tpu.memory_space<hbm>> -> memref<1000000x64xf32, #tpu.memory_space<hbm>>
    tpu.enqueue_indirect_dma source(%dma_start3A_31 : memref<1000000x64xf32, #tpu.memory_space<hbm>>) target(%dma_start3A_26 : memref<128x64xf32, #tpu.memory_space<vmem>>) offsets(%dma_start3A_28 : memref<128xi32, #tpu.memory_space<vmem>>) semaphore(%arg9 : memref<!tpu.dma_semaphore, #tpu.memory_space<semaphore_mem>>)
    %dma_start3A_32 = arith.constant 3 : i32
    %dma_start3A_33 = arith.constant 0 : i32
    %dma_start3A_34 = arith.constant 0 : i32
    %dma_start3A_35 = tpu.memref_slice %arg6[%dma_start3A_32, %dma_start3A_33, %dma_start3A_34] : memref<8x128x64xf32, #tpu.memory_space<vmem>> -> memref<1x128x64xf32, #tpu.memory_space<vmem>>
    %dma_start3A_36 = tpu.memref_squeeze %dma_start3A_35 : memref<1x128x64xf32, #tpu.memory_space<vmem>> -> memref<128x64xf32, #tpu.memory_space<vmem>>
    %dma_start3A_37 = arith.constant 384 : i32
    %dma_start3A_38 = tpu.memref_slice %arg5[%dma_start3A_37] : memref<25600xi32, #tpu.memory_space<vmem>> -> memref<128xi32, #tpu.memory_space<vmem>>
    %dma_start3A_39 = arith.constant 0 : i32
    %dma_start3A_40 = arith.constant 0 : i32
    %dma_start3A_41 = tpu.memref_slice %arg3[%dma_start3A_39, %dma_start3A_40] : memref<1000000x64xf32, #tpu.memory_space<hbm>> -> memref<1000000x64xf32, #tpu.memory_space<hbm>>
    tpu.enqueue_indirect_dma source(%dma_start3A_41 : memref<1000000x64xf32, #tpu.memory_space<hbm>>) target(%dma_start3A_36 : memref<128x64xf32, #tpu.memory_space<vmem>>) offsets(%dma_start3A_38 : memref<128xi32, #tpu.memory_space<vmem>>) semaphore(%arg10 : memref<!tpu.dma_semaphore, #tpu.memory_space<semaphore_mem>>)
    %dma_start3A_42 = arith.constant 4 : i32
    %dma_start3A_43 = arith.constant 0 : i32
    %dma_start3A_44 = arith.constant 0 : i32
    %dma_start3A_45 = tpu.memref_slice %arg6[%dma_start3A_42, %dma_start3A_43, %dma_start3A_44] : memref<8x128x64xf32, #tpu.memory_space<vmem>> -> memref<1x128x64xf32, #tpu.memory_space<vmem>>
    %dma_start3A_46 = tpu.memref_squeeze %dma_start3A_45 : memref<1x128x64xf32, #tpu.memory_space<vmem>> -> memref<128x64xf32, #tpu.memory_space<vmem>>
    %dma_start3A_47 = arith.constant 512 : i32
    %dma_start3A_48 = tpu.memref_slice %arg5[%dma_start3A_47] : memref<25600xi32, #tpu.memory_space<vmem>> -> memref<128xi32, #tpu.memory_space<vmem>>
    %dma_start3A_49 = arith.constant 0 : i32
    %dma_start3A_50 = arith.constant 0 : i32
    %dma_start3A_51 = tpu.memref_slice %arg3[%dma_start3A_49, %dma_start3A_50] : memref<1000000x64xf32, #tpu.memory_space<hbm>> -> memref<1000000x64xf32, #tpu.memory_space<hbm>>
    tpu.enqueue_indirect_dma source(%dma_start3A_51 : memref<1000000x64xf32, #tpu.memory_space<hbm>>) target(%dma_start3A_46 : memref<128x64xf32, #tpu.memory_space<vmem>>) offsets(%dma_start3A_48 : memref<128xi32, #tpu.memory_space<vmem>>) semaphore(%arg11 : memref<!tpu.dma_semaphore, #tpu.memory_space<semaphore_mem>>)
    %dma_start3A_52 = arith.constant 5 : i32
    %dma_start3A_53 = arith.constant 0 : i32
    %dma_start3A_54 = arith.constant 0 : i32
    %dma_start3A_55 = tpu.memref_slice %arg6[%dma_start3A_52, %dma_start3A_53, %dma_start3A_54] : memref<8x128x64xf32, #tpu.memory_space<vmem>> -> memref<1x128x64xf32, #tpu.memory_space<vmem>>
    %dma_start3A_56 = tpu.memref_squeeze %dma_start3A_55 : memref<1x128x64xf32, #tpu.memory_space<vmem>> -> memref<128x64xf32, #tpu.memory_space<vmem>>
    %dma_start3A_57 = arith.constant 640 : i32
    %dma_start3A_58 = tpu.memref_slice %arg5[%dma_start3A_57] : memref<25600xi32, #tpu.memory_space<vmem>> -> memref<128xi32, #tpu.memory_space<vmem>>
    %dma_start3A_59 = arith.constant 0 : i32
    %dma_start3A_60 = arith.constant 0 : i32
    %dma_start3A_61 = tpu.memref_slice %arg3[%dma_start3A_59, %dma_start3A_60] : memref<1000000x64xf32, #tpu.memory_space<hbm>> -> memref<1000000x64xf32, #tpu.memory_space<hbm>>
    tpu.enqueue_indirect_dma source(%dma_start3A_61 : memref<1000000x64xf32, #tpu.memory_space<hbm>>) target(%dma_start3A_56 : memref<128x64xf32, #tpu.memory_space<vmem>>) offsets(%dma_start3A_58 : memref<128xi32, #tpu.memory_space<vmem>>) semaphore(%arg12 : memref<!tpu.dma_semaphore, #tpu.memory_space<semaphore_mem>>)
    %dma_wait3A = arith.constant 0 : i32
    %dma_wait3A_62 = arith.constant 0 : i32
    %dma_wait3A_63 = arith.constant 0 : i32
    %dma_wait3A_64 = tpu.memref_slice %arg6[%dma_wait3A, %dma_wait3A_62, %dma_wait3A_63] : memref<8x128x64xf32, #tpu.memory_space<vmem>> -> memref<1x128x64xf32, #tpu.memory_space<vmem>>
    %dma_wait3A_65 = tpu.memref_squeeze %dma_wait3A_64 : memref<1x128x64xf32, #tpu.memory_space<vmem>> -> memref<128x64xf32, #tpu.memory_space<vmem>>
    %dma_wait3A_66 = arith.constant 0 : i32
    %dma_wait3A_67 = tpu.memref_slice %arg5[%dma_wait3A_66] : memref<25600xi32, #tpu.memory_space<vmem>> -> memref<128xi32, #tpu.memory_space<vmem>>
    %dma_wait3A_68 = arith.constant 0 : i32
    %dma_wait3A_69 = arith.constant 0 : i32
    %dma_wait3A_70 = tpu.memref_slice %arg3[%dma_wait3A_68, %dma_wait3A_69] : memref<1000000x64xf32, #tpu.memory_space<hbm>> -> memref<1000000x64xf32, #tpu.memory_space<hbm>>
    tpu.wait_indirect_dma semaphore(%arg7 : memref<!tpu.dma_semaphore, #tpu.memory_space<semaphore_mem>>) src(%dma_wait3A_70 : memref<1000000x64xf32, #tpu.memory_space<hbm>>) dst(%dma_wait3A_65 : memref<128x64xf32, #tpu.memory_space<vmem>>)
    %add3A_71 = arith.constant 0 : i32
    %add3A_72 = arith.addi %mul3A_2, %add3A_71 : i32
    %dma_start3A_73 = arith.constant 0 : i32
    %dma_start3A_74 = arith.constant 0 : i32
    %dma_start3A_75 = arith.constant 0 : i32
    %dma_start3A_76 = tpu.memref_slice %arg6[%dma_start3A_73, %dma_start3A_74, %dma_start3A_75] : memref<8x128x64xf32, #tpu.memory_space<vmem>> -> memref<1x128x64xf32, #tpu.memory_space<vmem>>
    %dma_start3A_77 = tpu.memref_squeeze %dma_start3A_76 : memref<1x128x64xf32, #tpu.memory_space<vmem>> -> memref<128x64xf32, #tpu.memory_space<vmem>>
    %dma_start3A_78 = arith.constant 0 : i32
    %dma_start3A_79 = tpu.memref_slice %arg4[%add3A_72, %dma_start3A_78] : memref<819200x64xf32, #tpu.memory_space<hbm>> -> memref<128x64xf32, #tpu.memory_space<hbm>>
    %dma_start3A_80 = arith.constant 0 : i32
    %dma_start3A_81 = tpu.memref_slice %arg4[%add3A_72, %dma_start3A_80] : memref<819200x64xf32, #tpu.memory_space<hbm>> -> memref<128x64xf32, #tpu.memory_space<hbm>>
    %dma_start3A_82 = arith.constant 0 : i32
    %dma_start3A_83 = arith.constant 0 : i32
    %dma_start3A_84 = tpu.memref_slice %arg6[%dma_start3A_73, %dma_start3A_82, %dma_start3A_83] : memref<8x128x64xf32, #tpu.memory_space<vmem>> -> memref<1x128x64xf32, #tpu.memory_space<vmem>>
    %dma_start3A_85 = tpu.memref_squeeze %dma_start3A_84 : memref<1x128x64xf32, #tpu.memory_space<vmem>> -> memref<128x64xf32, #tpu.memory_space<vmem>>
    tpu.enqueue_dma source(%dma_start3A_85 : memref<128x64xf32, #tpu.memory_space<vmem>>) target(%dma_start3A_81 : memref<128x64xf32, #tpu.memory_space<hbm>>) target_semaphore(%arg15 : memref<!tpu.dma_semaphore, #tpu.memory_space<semaphore_mem>>)
    %dma_start3A_86 = arith.constant 6 : i32
    %dma_start3A_87 = arith.constant 0 : i32
    %dma_start3A_88 = arith.constant 0 : i32
    %dma_start3A_89 = tpu.memref_slice %arg6[%dma_start3A_86, %dma_start3A_87, %dma_start3A_88] : memref<8x128x64xf32, #tpu.memory_space<vmem>> -> memref<1x128x64xf32, #tpu.memory_space<vmem>>
    %dma_start3A_90 = tpu.memref_squeeze %dma_start3A_89 : memref<1x128x64xf32, #tpu.memory_space<vmem>> -> memref<128x64xf32, #tpu.memory_space<vmem>>
    %dma_start3A_91 = arith.constant 768 : i32
    %dma_start3A_92 = tpu.memref_slice %arg5[%dma_start3A_91] : memref<25600xi32, #tpu.memory_space<vmem>> -> memref<128xi32, #tpu.memory_space<vmem>>
    %dma_start3A_93 = arith.constant 0 : i32
    %dma_start3A_94 = arith.constant 0 : i32
    %dma_start3A_95 = tpu.memref_slice %arg3[%dma_start3A_93, %dma_start3A_94] : memref<1000000x64xf32, #tpu.memory_space<hbm>> -> memref<1000000x64xf32, #tpu.memory_space<hbm>>
    tpu.enqueue_indirect_dma source(%dma_start3A_95 : memref<1000000x64xf32, #tpu.memory_space<hbm>>) target(%dma_start3A_90 : memref<128x64xf32, #tpu.memory_space<vmem>>) offsets(%dma_start3A_92 : memref<128xi32, #tpu.memory_space<vmem>>) semaphore(%arg13 : memref<!tpu.dma_semaphore, #tpu.memory_space<semaphore_mem>>)
    %dma_wait3A_96 = arith.constant 1 : i32
    %dma_wait3A_97 = arith.constant 0 : i32
    %dma_wait3A_98 = arith.constant 0 : i32
    %dma_wait3A_99 = tpu.memref_slice %arg6[%dma_wait3A_96, %dma_wait3A_97, %dma_wait3A_98] : memref<8x128x64xf32, #tpu.memory_space<vmem>> -> memref<1x128x64xf32, #tpu.memory_space<vmem>>
    %dma_wait3A_100 = tpu.memref_squeeze %dma_wait3A_99 : memref<1x128x64xf32, #tpu.memory_space<vmem>> -> memref<128x64xf32, #tpu.memory_space<vmem>>
    %dma_wait3A_101 = arith.constant 128 : i32
    %dma_wait3A_102 = tpu.memref_slice %arg5[%dma_wait3A_101] : memref<25600xi32, #tpu.memory_space<vmem>> -> memref<128xi32, #tpu.memory_space<vmem>>
    %dma_wait3A_103 = arith.constant 0 : i32
    %dma_wait3A_104 = arith.constant 0 : i32
    %dma_wait3A_105 = tpu.memref_slice %arg3[%dma_wait3A_103, %dma_wait3A_104] : memref<1000000x64xf32, #tpu.memory_space<hbm>> -> memref<1000000x64xf32, #tpu.memory_space<hbm>>
    tpu.wait_indirect_dma semaphore(%arg8 : memref<!tpu.dma_semaphore, #tpu.memory_space<semaphore_mem>>) src(%dma_wait3A_105 : memref<1000000x64xf32, #tpu.memory_space<hbm>>) dst(%dma_wait3A_100 : memref<128x64xf32, #tpu.memory_space<vmem>>)
    %add3A_106 = arith.constant 128 : i32
    %add3A_107 = arith.addi %mul3A_2, %add3A_106 : i32
    %dma_start3A_108 = arith.constant 1 : i32
    %dma_start3A_109 = arith.constant 0 : i32
    %dma_start3A_110 = arith.constant 0 : i32
    %dma_start3A_111 = tpu.memref_slice %arg6[%dma_start3A_108, %dma_start3A_109, %dma_start3A_110] : memref<8x128x64xf32, #tpu.memory_space<vmem>> -> memref<1x128x64xf32, #tpu.memory_space<vmem>>
    %dma_start3A_112 = tpu.memref_squeeze %dma_start3A_111 : memref<1x128x64xf32, #tpu.memory_space<vmem>> -> memref<128x64xf32, #tpu.memory_space<vmem>>
    %dma_start3A_113 = arith.constant 0 : i32
    %dma_start3A_114 = tpu.memref_slice %arg4[%add3A_107, %dma_start3A_113] : memref<819200x64xf32, #tpu.memory_space<hbm>> -> memref<128x64xf32, #tpu.memory_space<hbm>>
    %dma_start3A_115 = arith.constant 0 : i32
    %dma_start3A_116 = tpu.memref_slice %arg4[%add3A_107, %dma_start3A_115] : memref<819200x64xf32, #tpu.memory_space<hbm>> -> memref<128x64xf32, #tpu.memory_space<hbm>>
    %dma_start3A_117 = arith.constant 0 : i32
    %dma_start3A_118 = arith.constant 0 : i32
    %dma_start3A_119 = tpu.memref_slice %arg6[%dma_start3A_108, %dma_start3A_117, %dma_start3A_118] : memref<8x128x64xf32, #tpu.memory_space<vmem>> -> memref<1x128x64xf32, #tpu.memory_space<vmem>>
    %dma_start3A_120 = tpu.memref_squeeze %dma_start3A_119 : memref<1x128x64xf32, #tpu.memory_space<vmem>> -> memref<128x64xf32, #tpu.memory_space<vmem>>
    tpu.enqueue_dma source(%dma_start3A_120 : memref<128x64xf32, #tpu.memory_space<vmem>>) target(%dma_start3A_116 : memref<128x64xf32, #tpu.memory_space<hbm>>) target_semaphore(%arg16 : memref<!tpu.dma_semaphore, #tpu.memory_space<semaphore_mem>>)
    %dma_start3A_121 = arith.constant 7 : i32
    %dma_start3A_122 = arith.constant 0 : i32
    %dma_start3A_123 = arith.constant 0 : i32
    %dma_start3A_124 = tpu.memref_slice %arg6[%dma_start3A_121, %dma_start3A_122, %dma_start3A_123] : memref<8x128x64xf32, #tpu.memory_space<vmem>> -> memref<1x128x64xf32, #tpu.memory_space<vmem>>
    %dma_start3A_125 = tpu.memref_squeeze %dma_start3A_124 : memref<1x128x64xf32, #tpu.memory_space<vmem>> -> memref<128x64xf32, #tpu.memory_space<vmem>>
    %dma_start3A_126 = arith.constant 896 : i32
    %dma_start3A_127 = tpu.memref_slice %arg5[%dma_start3A_126] : memref<25600xi32, #tpu.memory_space<vmem>> -> memref<128xi32, #tpu.memory_space<vmem>>
    %dma_start3A_128 = arith.constant 0 : i32
    %dma_start3A_129 = arith.constant 0 : i32
    %dma_start3A_130 = tpu.memref_slice %arg3[%dma_start3A_128, %dma_start3A_129] : memref<1000000x64xf32, #tpu.memory_space<hbm>> -> memref<1000000x64xf32, #tpu.memory_space<hbm>>
    tpu.enqueue_indirect_dma source(%dma_start3A_130 : memref<1000000x64xf32, #tpu.memory_space<hbm>>) target(%dma_start3A_125 : memref<128x64xf32, #tpu.memory_space<vmem>>) offsets(%dma_start3A_127 : memref<128xi32, #tpu.memory_space<vmem>>) semaphore(%arg14 : memref<!tpu.dma_semaphore, #tpu.memory_space<semaphore_mem>>)
    %dma_wait3A_131 = arith.constant 2 : i32
    %dma_wait3A_132 = arith.constant 0 : i32
    %dma_wait3A_133 = arith.constant 0 : i32
    %dma_wait3A_134 = tpu.memref_slice %arg6[%dma_wait3A_131, %dma_wait3A_132, %dma_wait3A_133] : memref<8x128x64xf32, #tpu.memory_space<vmem>> -> memref<1x128x64xf32, #tpu.memory_space<vmem>>
    %dma_wait3A_135 = tpu.memref_squeeze %dma_wait3A_134 : memref<1x128x64xf32, #tpu.memory_space<vmem>> -> memref<128x64xf32, #tpu.memory_space<vmem>>
    %dma_wait3A_136 = arith.constant 256 : i32
    %dma_wait3A_137 = tpu.memref_slice %arg5[%dma_wait3A_136] : memref<25600xi32, #tpu.memory_space<vmem>> -> memref<128xi32, #tpu.memory_space<vmem>>
    %dma_wait3A_138 = arith.constant 0 : i32
    %dma_wait3A_139 = arith.constant 0 : i32
    %dma_wait3A_140 = tpu.memref_slice %arg3[%dma_wait3A_138, %dma_wait3A_139] : memref<1000000x64xf32, #tpu.memory_space<hbm>> -> memref<1000000x64xf32, #tpu.memory_space<hbm>>
    tpu.wait_indirect_dma semaphore(%arg9 : memref<!tpu.dma_semaphore, #tpu.memory_space<semaphore_mem>>) src(%dma_wait3A_140 : memref<1000000x64xf32, #tpu.memory_space<hbm>>) dst(%dma_wait3A_135 : memref<128x64xf32, #tpu.memory_space<vmem>>)
    %add3A_141 = arith.constant 256 : i32
    %add3A_142 = arith.addi %mul3A_2, %add3A_141 : i32
    %dma_start3A_143 = arith.constant 2 : i32
    %dma_start3A_144 = arith.constant 0 : i32
    %dma_start3A_145 = arith.constant 0 : i32
    %dma_start3A_146 = tpu.memref_slice %arg6[%dma_start3A_143, %dma_start3A_144, %dma_start3A_145] : memref<8x128x64xf32, #tpu.memory_space<vmem>> -> memref<1x128x64xf32, #tpu.memory_space<vmem>>
    %dma_start3A_147 = tpu.memref_squeeze %dma_start3A_146 : memref<1x128x64xf32, #tpu.memory_space<vmem>> -> memref<128x64xf32, #tpu.memory_space<vmem>>
    %dma_start3A_148 = arith.constant 0 : i32
    %dma_start3A_149 = tpu.memref_slice %arg4[%add3A_142, %dma_start3A_148] : memref<819200x64xf32, #tpu.memory_space<hbm>> -> memref<128x64xf32, #tpu.memory_space<hbm>>
    %dma_start3A_150 = arith.constant 0 : i32
    %dma_start3A_151 = tpu.memref_slice %arg4[%add3A_142, %dma_start3A_150] : memref<819200x64xf32, #tpu.memory_space<hbm>> -> memref<128x64xf32, #tpu.memory_space<hbm>>
    %dma_start3A_152 = arith.constant 0 : i32
    %dma_start3A_153 = arith.constant 0 : i32
    %dma_start3A_154 = tpu.memref_slice %arg6[%dma_start3A_143, %dma_start3A_152, %dma_start3A_153] : memref<8x128x64xf32, #tpu.memory_space<vmem>> -> memref<1x128x64xf32, #tpu.memory_space<vmem>>
    %dma_start3A_155 = tpu.memref_squeeze %dma_start3A_154 : memref<1x128x64xf32, #tpu.memory_space<vmem>> -> memref<128x64xf32, #tpu.memory_space<vmem>>
    tpu.enqueue_dma source(%dma_start3A_155 : memref<128x64xf32, #tpu.memory_space<vmem>>) target(%dma_start3A_151 : memref<128x64xf32, #tpu.memory_space<hbm>>) target_semaphore(%arg17 : memref<!tpu.dma_semaphore, #tpu.memory_space<semaphore_mem>>)
    %add3A_156 = arith.constant 0 : i32
    %add3A_157 = arith.addi %mul3A_2, %add3A_156 : i32
    %dma_wait3A_158 = arith.constant 0 : i32
    %dma_wait3A_159 = arith.constant 0 : i32
    %dma_wait3A_160 = arith.constant 0 : i32
    %dma_wait3A_161 = tpu.memref_slice %arg6[%dma_wait3A_158, %dma_wait3A_159, %dma_wait3A_160] : memref<8x128x64xf32, #tpu.memory_space<vmem>> -> memref<1x128x64xf32, #tpu.memory_space<vmem>>
    %dma_wait3A_162 = tpu.memref_squeeze %dma_wait3A_161 : memref<1x128x64xf32, #tpu.memory_space<vmem>> -> memref<128x64xf32, #tpu.memory_space<vmem>>
    %dma_wait3A_163 = arith.constant 0 : i32
    %dma_wait3A_164 = tpu.memref_slice %arg4[%add3A_157, %dma_wait3A_163] : memref<819200x64xf32, #tpu.memory_space<hbm>> -> memref<128x64xf32, #tpu.memory_space<hbm>>
    %dma_wait3A_165 = arith.constant 0 : i32
    %dma_wait3A_166 = tpu.memref_slice %arg4[%add3A_157, %dma_wait3A_165] : memref<819200x64xf32, #tpu.memory_space<hbm>> -> memref<128x64xf32, #tpu.memory_space<hbm>>
    %dma_wait3A_167 = arith.constant 0 : i32
    %dma_wait3A_168 = arith.constant 0 : i32
    %dma_wait3A_169 = tpu.memref_slice %arg6[%dma_wait3A_158, %dma_wait3A_167, %dma_wait3A_168] : memref<8x128x64xf32, #tpu.memory_space<vmem>> -> memref<1x128x64xf32, #tpu.memory_space<vmem>>
    %dma_wait3A_170 = tpu.memref_squeeze %dma_wait3A_169 : memref<1x128x64xf32, #tpu.memory_space<vmem>> -> memref<128x64xf32, #tpu.memory_space<vmem>>
    tpu.wait_dma2 semaphore(%arg15 : memref<!tpu.dma_semaphore, #tpu.memory_space<semaphore_mem>>) src(%dma_wait3A_170 : memref<128x64xf32, #tpu.memory_space<vmem>>) dst(%dma_wait3A_166 : memref<128x64xf32, #tpu.memory_space<hbm>>)
    %dma_start3A_171 = arith.constant 0 : i32
    %dma_start3A_172 = arith.constant 0 : i32
    %dma_start3A_173 = arith.constant 0 : i32
    %dma_start3A_174 = tpu.memref_slice %arg6[%dma_start3A_171, %dma_start3A_172, %dma_start3A_173] : memref<8x128x64xf32, #tpu.memory_space<vmem>> -> memref<1x128x64xf32, #tpu.memory_space<vmem>>
    %dma_start3A_175 = tpu.memref_squeeze %dma_start3A_174 : memref<1x128x64xf32, #tpu.memory_space<vmem>> -> memref<128x64xf32, #tpu.memory_space<vmem>>
    %dma_start3A_176 = arith.constant 1024 : i32
    %dma_start3A_177 = tpu.memref_slice %arg5[%dma_start3A_176] : memref<25600xi32, #tpu.memory_space<vmem>> -> memref<128xi32, #tpu.memory_space<vmem>>
    %dma_start3A_178 = arith.constant 0 : i32
    %dma_start3A_179 = arith.constant 0 : i32
    %dma_start3A_180 = tpu.memref_slice %arg3[%dma_start3A_178, %dma_start3A_179] : memref<1000000x64xf32, #tpu.memory_space<hbm>> -> memref<1000000x64xf32, #tpu.memory_space<hbm>>
    tpu.enqueue_indirect_dma source(%dma_start3A_180 : memref<1000000x64xf32, #tpu.memory_space<hbm>>) target(%dma_start3A_175 : memref<128x64xf32, #tpu.memory_space<vmem>>) offsets(%dma_start3A_177 : memref<128xi32, #tpu.memory_space<vmem>>) semaphore(%arg7 : memref<!tpu.dma_semaphore, #tpu.memory_space<semaphore_mem>>)
    %dma_wait3A_181 = arith.constant 3 : i32
    %dma_wait3A_182 = arith.constant 0 : i32
    %dma_wait3A_183 = arith.constant 0 : i32
    %dma_wait3A_184 = tpu.memref_slice %arg6[%dma_wait3A_181, %dma_wait3A_182, %dma_wait3A_183] : memref<8x128x64xf32, #tpu.memory_space<vmem>> -> memref<1x128x64xf32, #tpu.memory_space<vmem>>
    %dma_wait3A_185 = tpu.memref_squeeze %dma_wait3A_184 : memref<1x128x64xf32, #tpu.memory_space<vmem>> -> memref<128x64xf32, #tpu.memory_space<vmem>>
    %dma_wait3A_186 = arith.constant 384 : i32
    %dma_wait3A_187 = tpu.memref_slice %arg5[%dma_wait3A_186] : memref<25600xi32, #tpu.memory_space<vmem>> -> memref<128xi32, #tpu.memory_space<vmem>>
    %dma_wait3A_188 = arith.constant 0 : i32
    %dma_wait3A_189 = arith.constant 0 : i32
    %dma_wait3A_190 = tpu.memref_slice %arg3[%dma_wait3A_188, %dma_wait3A_189] : memref<1000000x64xf32, #tpu.memory_space<hbm>> -> memref<1000000x64xf32, #tpu.memory_space<hbm>>
    tpu.wait_indirect_dma semaphore(%arg10 : memref<!tpu.dma_semaphore, #tpu.memory_space<semaphore_mem>>) src(%dma_wait3A_190 : memref<1000000x64xf32, #tpu.memory_space<hbm>>) dst(%dma_wait3A_185 : memref<128x64xf32, #tpu.memory_space<vmem>>)
    %add3A_191 = arith.constant 384 : i32
    %add3A_192 = arith.addi %mul3A_2, %add3A_191 : i32
    %dma_start3A_193 = arith.constant 3 : i32
    %dma_start3A_194 = arith.constant 0 : i32
    %dma_start3A_195 = arith.constant 0 : i32
    %dma_start3A_196 = tpu.memref_slice %arg6[%dma_start3A_193, %dma_start3A_194, %dma_start3A_195] : memref<8x128x64xf32, #tpu.memory_space<vmem>> -> memref<1x128x64xf32, #tpu.memory_space<vmem>>
    %dma_start3A_197 = tpu.memref_squeeze %dma_start3A_196 : memref<1x128x64xf32, #tpu.memory_space<vmem>> -> memref<128x64xf32, #tpu.memory_space<vmem>>
    %dma_start3A_198 = arith.constant 0 : i32
    %dma_start3A_199 = tpu.memref_slice %arg4[%add3A_192, %dma_start3A_198] : memref<819200x64xf32, #tpu.memory_space<hbm>> -> memref<128x64xf32, #tpu.memory_space<hbm>>
    %dma_start3A_200 = arith.constant 0 : i32
    %dma_start3A_201 = tpu.memref_slice %arg4[%add3A_192, %dma_start3A_200] : memref<819200x64xf32, #tpu.memory_space<hbm>> -> memref<128x64xf32, #tpu.memory_space<hbm>>
    %dma_start3A_202 = arith.constant 0 : i32
    %dma_start3A_203 = arith.constant 0 : i32
    %dma_start3A_204 = tpu.memref_slice %arg6[%dma_start3A_193, %dma_start3A_202, %dma_start3A_203] : memref<8x128x64xf32, #tpu.memory_space<vmem>> -> memref<1x128x64xf32, #tpu.memory_space<vmem>>
    %dma_start3A_205 = tpu.memref_squeeze %dma_start3A_204 : memref<1x128x64xf32, #tpu.memory_space<vmem>> -> memref<128x64xf32, #tpu.memory_space<vmem>>
    tpu.enqueue_dma source(%dma_start3A_205 : memref<128x64xf32, #tpu.memory_space<vmem>>) target(%dma_start3A_201 : memref<128x64xf32, #tpu.memory_space<hbm>>) target_semaphore(%arg18 : memref<!tpu.dma_semaphore, #tpu.memory_space<semaphore_mem>>)
    %add3A_206 = arith.constant 128 : i32
    %add3A_207 = arith.addi %mul3A_2, %add3A_206 : i32
    %dma_wait3A_208 = arith.constant 1 : i32
    %dma_wait3A_209 = arith.constant 0 : i32
    %dma_wait3A_210 = arith.constant 0 : i32
    %dma_wait3A_211 = tpu.memref_slice %arg6[%dma_wait3A_208, %dma_wait3A_209, %dma_wait3A_210] : memref<8x128x64xf32, #tpu.memory_space<vmem>> -> memref<1x128x64xf32, #tpu.memory_space<vmem>>
    %dma_wait3A_212 = tpu.memref_squeeze %dma_wait3A_211 : memref<1x128x64xf32, #tpu.memory_space<vmem>> -> memref<128x64xf32, #tpu.memory_space<vmem>>
    %dma_wait3A_213 = arith.constant 0 : i32
    %dma_wait3A_214 = tpu.memref_slice %arg4[%add3A_207, %dma_wait3A_213] : memref<819200x64xf32, #tpu.memory_space<hbm>> -> memref<128x64xf32, #tpu.memory_space<hbm>>
    %dma_wait3A_215 = arith.constant 0 : i32
    %dma_wait3A_216 = tpu.memref_slice %arg4[%add3A_207, %dma_wait3A_215] : memref<819200x64xf32, #tpu.memory_space<hbm>> -> memref<128x64xf32, #tpu.memory_space<hbm>>
    %dma_wait3A_217 = arith.constant 0 : i32
    %dma_wait3A_218 = arith.constant 0 : i32
    %dma_wait3A_219 = tpu.memref_slice %arg6[%dma_wait3A_208, %dma_wait3A_217, %dma_wait3A_218] : memref<8x128x64xf32, #tpu.memory_space<vmem>> -> memref<1x128x64xf32, #tpu.memory_space<vmem>>
    %dma_wait3A_220 = tpu.memref_squeeze %dma_wait3A_219 : memref<1x128x64xf32, #tpu.memory_space<vmem>> -> memref<128x64xf32, #tpu.memory_space<vmem>>
    tpu.wait_dma2 semaphore(%arg16 : memref<!tpu.dma_semaphore, #tpu.memory_space<semaphore_mem>>) src(%dma_wait3A_220 : memref<128x64xf32, #tpu.memory_space<vmem>>) dst(%dma_wait3A_216 : memref<128x64xf32, #tpu.memory_space<hbm>>)
    %dma_start3A_221 = arith.constant 1 : i32
    %dma_start3A_222 = arith.constant 0 : i32
    %dma_start3A_223 = arith.constant 0 : i32
    %dma_start3A_224 = tpu.memref_slice %arg6[%dma_start3A_221, %dma_start3A_222, %dma_start3A_223] : memref<8x128x64xf32, #tpu.memory_space<vmem>> -> memref<1x128x64xf32, #tpu.memory_space<vmem>>
    %dma_start3A_225 = tpu.memref_squeeze %dma_start3A_224 : memref<1x128x64xf32, #tpu.memory_space<vmem>> -> memref<128x64xf32, #tpu.memory_space<vmem>>
    %dma_start3A_226 = arith.constant 1152 : i32
    %dma_start3A_227 = tpu.memref_slice %arg5[%dma_start3A_226] : memref<25600xi32, #tpu.memory_space<vmem>> -> memref<128xi32, #tpu.memory_space<vmem>>
    %dma_start3A_228 = arith.constant 0 : i32
    %dma_start3A_229 = arith.constant 0 : i32
    %dma_start3A_230 = tpu.memref_slice %arg3[%dma_start3A_228, %dma_start3A_229] : memref<1000000x64xf32, #tpu.memory_space<hbm>> -> memref<1000000x64xf32, #tpu.memory_space<hbm>>
    tpu.enqueue_indirect_dma source(%dma_start3A_230 : memref<1000000x64xf32, #tpu.memory_space<hbm>>) target(%dma_start3A_225 : memref<128x64xf32, #tpu.memory_space<vmem>>) offsets(%dma_start3A_227 : memref<128xi32, #tpu.memory_space<vmem>>) semaphore(%arg8 : memref<!tpu.dma_semaphore, #tpu.memory_space<semaphore_mem>>)
    %dma_wait3A_231 = arith.constant 4 : i32
    %dma_wait3A_232 = arith.constant 0 : i32
    %dma_wait3A_233 = arith.constant 0 : i32
    %dma_wait3A_234 = tpu.memref_slice %arg6[%dma_wait3A_231, %dma_wait3A_232, %dma_wait3A_233] : memref<8x128x64xf32, #tpu.memory_space<vmem>> -> memref<1x128x64xf32, #tpu.memory_space<vmem>>
    %dma_wait3A_235 = tpu.memref_squeeze %dma_wait3A_234 : memref<1x128x64xf32, #tpu.memory_space<vmem>> -> memref<128x64xf32, #tpu.memory_space<vmem>>
    %dma_wait3A_236 = arith.constant 512 : i32
    %dma_wait3A_237 = tpu.memref_slice %arg5[%dma_wait3A_236] : memref<25600xi32, #tpu.memory_space<vmem>> -> memref<128xi32, #tpu.memory_space<vmem>>
    %dma_wait3A_238 = arith.constant 0 : i32
    %dma_wait3A_239 = arith.constant 0 : i32
    %dma_wait3A_240 = tpu.memref_slice %arg3[%dma_wait3A_238, %dma_wait3A_239] : memref<1000000x64xf32, #tpu.memory_space<hbm>> -> memref<1000000x64xf32, #tpu.memory_space<hbm>>
    tpu.wait_indirect_dma semaphore(%arg11 : memref<!tpu.dma_semaphore, #tpu.memory_space<semaphore_mem>>) src(%dma_wait3A_240 : memref<1000000x64xf32, #tpu.memory_space<hbm>>) dst(%dma_wait3A_235 : memref<128x64xf32, #tpu.memory_space<vmem>>)
    %add3A_241 = arith.constant 512 : i32
    %add3A_242 = arith.addi %mul3A_2, %add3A_241 : i32
    %dma_start3A_243 = arith.constant 4 : i32
    %dma_start3A_244 = arith.constant 0 : i32
    %dma_start3A_245 = arith.constant 0 : i32
    %dma_start3A_246 = tpu.memref_slice %arg6[%dma_start3A_243, %dma_start3A_244, %dma_start3A_245] : memref<8x128x64xf32, #tpu.memory_space<vmem>> -> memref<1x128x64xf32, #tpu.memory_space<vmem>>
    %dma_start3A_247 = tpu.memref_squeeze %dma_start3A_246 : memref<1x128x64xf32, #tpu.memory_space<vmem>> -> memref<128x64xf32, #tpu.memory_space<vmem>>
    %dma_start3A_248 = arith.constant 0 : i32
    %dma_start3A_249 = tpu.memref_slice %arg4[%add3A_242, %dma_start3A_248] : memref<819200x64xf32, #tpu.memory_space<hbm>> -> memref<128x64xf32, #tpu.memory_space<hbm>>
    %dma_start3A_250 = arith.constant 0 : i32
    %dma_start3A_251 = tpu.memref_slice %arg4[%add3A_242, %dma_start3A_250] : memref<819200x64xf32, #tpu.memory_space<hbm>> -> memref<128x64xf32, #tpu.memory_space<hbm>>
    %dma_start3A_252 = arith.constant 0 : i32
    %dma_start3A_253 = arith.constant 0 : i32
    %dma_start3A_254 = tpu.memref_slice %arg6[%dma_start3A_243, %dma_start3A_252, %dma_start3A_253] : memref<8x128x64xf32, #tpu.memory_space<vmem>> -> memref<1x128x64xf32, #tpu.memory_space<vmem>>
    %dma_start3A_255 = tpu.memref_squeeze %dma_start3A_254 : memref<1x128x64xf32, #tpu.memory_space<vmem>> -> memref<128x64xf32, #tpu.memory_space<vmem>>
    tpu.enqueue_dma source(%dma_start3A_255 : memref<128x64xf32, #tpu.memory_space<vmem>>) target(%dma_start3A_251 : memref<128x64xf32, #tpu.memory_space<hbm>>) target_semaphore(%arg19 : memref<!tpu.dma_semaphore, #tpu.memory_space<semaphore_mem>>)
    %add3A_256 = arith.constant 256 : i32
    %add3A_257 = arith.addi %mul3A_2, %add3A_256 : i32
    %dma_wait3A_258 = arith.constant 2 : i32
    %dma_wait3A_259 = arith.constant 0 : i32
    %dma_wait3A_260 = arith.constant 0 : i32
    %dma_wait3A_261 = tpu.memref_slice %arg6[%dma_wait3A_258, %dma_wait3A_259, %dma_wait3A_260] : memref<8x128x64xf32, #tpu.memory_space<vmem>> -> memref<1x128x64xf32, #tpu.memory_space<vmem>>
    %dma_wait3A_262 = tpu.memref_squeeze %dma_wait3A_261 : memref<1x128x64xf32, #tpu.memory_space<vmem>> -> memref<128x64xf32, #tpu.memory_space<vmem>>
    %dma_wait3A_263 = arith.constant 0 : i32
    %dma_wait3A_264 = tpu.memref_slice %arg4[%add3A_257, %dma_wait3A_263] : memref<819200x64xf32, #tpu.memory_space<hbm>> -> memref<128x64xf32, #tpu.memory_space<hbm>>
    %dma_wait3A_265 = arith.constant 0 : i32
    %dma_wait3A_266 = tpu.memref_slice %arg4[%add3A_257, %dma_wait3A_265] : memref<819200x64xf32, #tpu.memory_space<hbm>> -> memref<128x64xf32, #tpu.memory_space<hbm>>
    %dma_wait3A_267 = arith.constant 0 : i32
    %dma_wait3A_268 = arith.constant 0 : i32
    %dma_wait3A_269 = tpu.memref_slice %arg6[%dma_wait3A_258, %dma_wait3A_267, %dma_wait3A_268] : memref<8x128x64xf32, #tpu.memory_space<vmem>> -> memref<1x128x64xf32, #tpu.memory_space<vmem>>
    %dma_wait3A_270 = tpu.memref_squeeze %dma_wait3A_269 : memref<1x128x64xf32, #tpu.memory_space<vmem>> -> memref<128x64xf32, #tpu.memory_space<vmem>>
    tpu.wait_dma2 semaphore(%arg17 : memref<!tpu.dma_semaphore, #tpu.memory_space<semaphore_mem>>) src(%dma_wait3A_270 : memref<128x64xf32, #tpu.memory_space<vmem>>) dst(%dma_wait3A_266 : memref<128x64xf32, #tpu.memory_space<hbm>>)
    %dma_start3A_271 = arith.constant 2 : i32
    %dma_start3A_272 = arith.constant 0 : i32
    %dma_start3A_273 = arith.constant 0 : i32
    %dma_start3A_274 = tpu.memref_slice %arg6[%dma_start3A_271, %dma_start3A_272, %dma_start3A_273] : memref<8x128x64xf32, #tpu.memory_space<vmem>> -> memref<1x128x64xf32, #tpu.memory_space<vmem>>
    %dma_start3A_275 = tpu.memref_squeeze %dma_start3A_274 : memref<1x128x64xf32, #tpu.memory_space<vmem>> -> memref<128x64xf32, #tpu.memory_space<vmem>>
    %dma_start3A_276 = arith.constant 1280 : i32
    %dma_start3A_277 = tpu.memref_slice %arg5[%dma_start3A_276] : memref<25600xi32, #tpu.memory_space<vmem>> -> memref<128xi32, #tpu.memory_space<vmem>>
    %dma_start3A_278 = arith.constant 0 : i32
    %dma_start3A_279 = arith.constant 0 : i32
    %dma_start3A_280 = tpu.memref_slice %arg3[%dma_start3A_278, %dma_start3A_279] : memref<1000000x64xf32, #tpu.memory_space<hbm>> -> memref<1000000x64xf32, #tpu.memory_space<hbm>>
    tpu.enqueue_indirect_dma source(%dma_start3A_280 : memref<1000000x64xf32, #tpu.memory_space<hbm>>) target(%dma_start3A_275 : memref<128x64xf32, #tpu.memory_space<vmem>>) offsets(%dma_start3A_277 : memref<128xi32, #tpu.memory_space<vmem>>) semaphore(%arg9 : memref<!tpu.dma_semaphore, #tpu.memory_space<semaphore_mem>>)
    %dma_wait3A_281 = arith.constant 5 : i32
    %dma_wait3A_282 = arith.constant 0 : i32
    %dma_wait3A_283 = arith.constant 0 : i32
    %dma_wait3A_284 = tpu.memref_slice %arg6[%dma_wait3A_281, %dma_wait3A_282, %dma_wait3A_283] : memref<8x128x64xf32, #tpu.memory_space<vmem>> -> memref<1x128x64xf32, #tpu.memory_space<vmem>>
    %dma_wait3A_285 = tpu.memref_squeeze %dma_wait3A_284 : memref<1x128x64xf32, #tpu.memory_space<vmem>> -> memref<128x64xf32, #tpu.memory_space<vmem>>
    %dma_wait3A_286 = arith.constant 640 : i32
    %dma_wait3A_287 = tpu.memref_slice %arg5[%dma_wait3A_286] : memref<25600xi32, #tpu.memory_space<vmem>> -> memref<128xi32, #tpu.memory_space<vmem>>
    %dma_wait3A_288 = arith.constant 0 : i32
    %dma_wait3A_289 = arith.constant 0 : i32
    %dma_wait3A_290 = tpu.memref_slice %arg3[%dma_wait3A_288, %dma_wait3A_289] : memref<1000000x64xf32, #tpu.memory_space<hbm>> -> memref<1000000x64xf32, #tpu.memory_space<hbm>>
    tpu.wait_indirect_dma semaphore(%arg12 : memref<!tpu.dma_semaphore, #tpu.memory_space<semaphore_mem>>) src(%dma_wait3A_290 : memref<1000000x64xf32, #tpu.memory_space<hbm>>) dst(%dma_wait3A_285 : memref<128x64xf32, #tpu.memory_space<vmem>>)
    %add3A_291 = arith.constant 640 : i32
    %add3A_292 = arith.addi %mul3A_2, %add3A_291 : i32
    %dma_start3A_293 = arith.constant 5 : i32
    %dma_start3A_294 = arith.constant 0 : i32
    %dma_start3A_295 = arith.constant 0 : i32
    %dma_start3A_296 = tpu.memref_slice %arg6[%dma_start3A_293, %dma_start3A_294, %dma_start3A_295] : memref<8x128x64xf32, #tpu.memory_space<vmem>> -> memref<1x128x64xf32, #tpu.memory_space<vmem>>
    %dma_start3A_297 = tpu.memref_squeeze %dma_start3A_296 : memref<1x128x64xf32, #tpu.memory_space<vmem>> -> memref<128x64xf32, #tpu.memory_space<vmem>>
    %dma_start3A_298 = arith.constant 0 : i32
    %dma_start3A_299 = tpu.memref_slice %arg4[%add3A_292, %dma_start3A_298] : memref<819200x64xf32, #tpu.memory_space<hbm>> -> memref<128x64xf32, #tpu.memory_space<hbm>>
    %dma_start3A_300 = arith.constant 0 : i32
    %dma_start3A_301 = tpu.memref_slice %arg4[%add3A_292, %dma_start3A_300] : memref<819200x64xf32, #tpu.memory_space<hbm>> -> memref<128x64xf32, #tpu.memory_space<hbm>>
    %dma_start3A_302 = arith.constant 0 : i32
    %dma_start3A_303 = arith.constant 0 : i32
    %dma_start3A_304 = tpu.memref_slice %arg6[%dma_start3A_293, %dma_start3A_302, %dma_start3A_303] : memref<8x128x64xf32, #tpu.memory_space<vmem>> -> memref<1x128x64xf32, #tpu.memory_space<vmem>>
    %dma_start3A_305 = tpu.memref_squeeze %dma_start3A_304 : memref<1x128x64xf32, #tpu.memory_space<vmem>> -> memref<128x64xf32, #tpu.memory_space<vmem>>
    tpu.enqueue_dma source(%dma_start3A_305 : memref<128x64xf32, #tpu.memory_space<vmem>>) target(%dma_start3A_301 : memref<128x64xf32, #tpu.memory_space<hbm>>) target_semaphore(%arg20 : memref<!tpu.dma_semaphore, #tpu.memory_space<semaphore_mem>>)
    %add3A_306 = arith.constant 384 : i32
    %add3A_307 = arith.addi %mul3A_2, %add3A_306 : i32
    %dma_wait3A_308 = arith.constant 3 : i32
    %dma_wait3A_309 = arith.constant 0 : i32
    %dma_wait3A_310 = arith.constant 0 : i32
    %dma_wait3A_311 = tpu.memref_slice %arg6[%dma_wait3A_308, %dma_wait3A_309, %dma_wait3A_310] : memref<8x128x64xf32, #tpu.memory_space<vmem>> -> memref<1x128x64xf32, #tpu.memory_space<vmem>>
    %dma_wait3A_312 = tpu.memref_squeeze %dma_wait3A_311 : memref<1x128x64xf32, #tpu.memory_space<vmem>> -> memref<128x64xf32, #tpu.memory_space<vmem>>
    %dma_wait3A_313 = arith.constant 0 : i32
    %dma_wait3A_314 = tpu.memref_slice %arg4[%add3A_307, %dma_wait3A_313] : memref<819200x64xf32, #tpu.memory_space<hbm>> -> memref<128x64xf32, #tpu.memory_space<hbm>>
    %dma_wait3A_315 = arith.constant 0 : i32
    %dma_wait3A_316 = tpu.memref_slice %arg4[%add3A_307, %dma_wait3A_315] : memref<819200x64xf32, #tpu.memory_space<hbm>> -> memref<128x64xf32, #tpu.memory_space<hbm>>
    %dma_wait3A_317 = arith.constant 0 : i32
    %dma_wait3A_318 = arith.constant 0 : i32
    %dma_wait3A_319 = tpu.memref_slice %arg6[%dma_wait3A_308, %dma_wait3A_317, %dma_wait3A_318] : memref<8x128x64xf32, #tpu.memory_space<vmem>> -> memref<1x128x64xf32, #tpu.memory_space<vmem>>
    %dma_wait3A_320 = tpu.memref_squeeze %dma_wait3A_319 : memref<1x128x64xf32, #tpu.memory_space<vmem>> -> memref<128x64xf32, #tpu.memory_space<vmem>>
    tpu.wait_dma2 semaphore(%arg18 : memref<!tpu.dma_semaphore, #tpu.memory_space<semaphore_mem>>) src(%dma_wait3A_320 : memref<128x64xf32, #tpu.memory_space<vmem>>) dst(%dma_wait3A_316 : memref<128x64xf32, #tpu.memory_space<hbm>>)
    %dma_start3A_321 = arith.constant 3 : i32
    %dma_start3A_322 = arith.constant 0 : i32
    %dma_start3A_323 = arith.constant 0 : i32
    %dma_start3A_324 = tpu.memref_slice %arg6[%dma_start3A_321, %dma_start3A_322, %dma_start3A_323] : memref<8x128x64xf32, #tpu.memory_space<vmem>> -> memref<1x128x64xf32, #tpu.memory_space<vmem>>
    %dma_start3A_325 = tpu.memref_squeeze %dma_start3A_324 : memref<1x128x64xf32, #tpu.memory_space<vmem>> -> memref<128x64xf32, #tpu.memory_space<vmem>>
    %dma_start3A_326 = arith.constant 1408 : i32
    %dma_start3A_327 = tpu.memref_slice %arg5[%dma_start3A_326] : memref<25600xi32, #tpu.memory_space<vmem>> -> memref<128xi32, #tpu.memory_space<vmem>>
    %dma_start3A_328 = arith.constant 0 : i32
    %dma_start3A_329 = arith.constant 0 : i32
    %dma_start3A_330 = tpu.memref_slice %arg3[%dma_start3A_328, %dma_start3A_329] : memref<1000000x64xf32, #tpu.memory_space<hbm>> -> memref<1000000x64xf32, #tpu.memory_space<hbm>>
    tpu.enqueue_indirect_dma source(%dma_start3A_330 : memref<1000000x64xf32, #tpu.memory_space<hbm>>) target(%dma_start3A_325 : memref<128x64xf32, #tpu.memory_space<vmem>>) offsets(%dma_start3A_327 : memref<128xi32, #tpu.memory_space<vmem>>) semaphore(%arg10 : memref<!tpu.dma_semaphore, #tpu.memory_space<semaphore_mem>>)
    %dma_wait3A_331 = arith.constant 6 : i32
    %dma_wait3A_332 = arith.constant 0 : i32
    %dma_wait3A_333 = arith.constant 0 : i32
    %dma_wait3A_334 = tpu.memref_slice %arg6[%dma_wait3A_331, %dma_wait3A_332, %dma_wait3A_333] : memref<8x128x64xf32, #tpu.memory_space<vmem>> -> memref<1x128x64xf32, #tpu.memory_space<vmem>>
    %dma_wait3A_335 = tpu.memref_squeeze %dma_wait3A_334 : memref<1x128x64xf32, #tpu.memory_space<vmem>> -> memref<128x64xf32, #tpu.memory_space<vmem>>
    %dma_wait3A_336 = arith.constant 768 : i32
    %dma_wait3A_337 = tpu.memref_slice %arg5[%dma_wait3A_336] : memref<25600xi32, #tpu.memory_space<vmem>> -> memref<128xi32, #tpu.memory_space<vmem>>
    %dma_wait3A_338 = arith.constant 0 : i32
    %dma_wait3A_339 = arith.constant 0 : i32
    %dma_wait3A_340 = tpu.memref_slice %arg3[%dma_wait3A_338, %dma_wait3A_339] : memref<1000000x64xf32, #tpu.memory_space<hbm>> -> memref<1000000x64xf32, #tpu.memory_space<hbm>>
    tpu.wait_indirect_dma semaphore(%arg13 : memref<!tpu.dma_semaphore, #tpu.memory_space<semaphore_mem>>) src(%dma_wait3A_340 : memref<1000000x64xf32, #tpu.memory_space<hbm>>) dst(%dma_wait3A_335 : memref<128x64xf32, #tpu.memory_space<vmem>>)
    %add3A_341 = arith.constant 768 : i32
    %add3A_342 = arith.addi %mul3A_2, %add3A_341 : i32
    %dma_start3A_343 = arith.constant 6 : i32
    %dma_start3A_344 = arith.constant 0 : i32
    %dma_start3A_345 = arith.constant 0 : i32
    %dma_start3A_346 = tpu.memref_slice %arg6[%dma_start3A_343, %dma_start3A_344, %dma_start3A_345] : memref<8x128x64xf32, #tpu.memory_space<vmem>> -> memref<1x128x64xf32, #tpu.memory_space<vmem>>
    %dma_start3A_347 = tpu.memref_squeeze %dma_start3A_346 : memref<1x128x64xf32, #tpu.memory_space<vmem>> -> memref<128x64xf32, #tpu.memory_space<vmem>>
    %dma_start3A_348 = arith.constant 0 : i32
    %dma_start3A_349 = tpu.memref_slice %arg4[%add3A_342, %dma_start3A_348] : memref<819200x64xf32, #tpu.memory_space<hbm>> -> memref<128x64xf32, #tpu.memory_space<hbm>>
    %dma_start3A_350 = arith.constant 0 : i32
    %dma_start3A_351 = tpu.memref_slice %arg4[%add3A_342, %dma_start3A_350] : memref<819200x64xf32, #tpu.memory_space<hbm>> -> memref<128x64xf32, #tpu.memory_space<hbm>>
    %dma_start3A_352 = arith.constant 0 : i32
    %dma_start3A_353 = arith.constant 0 : i32
    %dma_start3A_354 = tpu.memref_slice %arg6[%dma_start3A_343, %dma_start3A_352, %dma_start3A_353] : memref<8x128x64xf32, #tpu.memory_space<vmem>> -> memref<1x128x64xf32, #tpu.memory_space<vmem>>
    %dma_start3A_355 = tpu.memref_squeeze %dma_start3A_354 : memref<1x128x64xf32, #tpu.memory_space<vmem>> -> memref<128x64xf32, #tpu.memory_space<vmem>>
    tpu.enqueue_dma source(%dma_start3A_355 : memref<128x64xf32, #tpu.memory_space<vmem>>) target(%dma_start3A_351 : memref<128x64xf32, #tpu.memory_space<hbm>>) target_semaphore(%arg21 : memref<!tpu.dma_semaphore, #tpu.memory_space<semaphore_mem>>)
    %add3A_356 = arith.constant 512 : i32
    %add3A_357 = arith.addi %mul3A_2, %add3A_356 : i32
    %dma_wait3A_358 = arith.constant 4 : i32
    %dma_wait3A_359 = arith.constant 0 : i32
    %dma_wait3A_360 = arith.constant 0 : i32
    %dma_wait3A_361 = tpu.memref_slice %arg6[%dma_wait3A_358, %dma_wait3A_359, %dma_wait3A_360] : memref<8x128x64xf32, #tpu.memory_space<vmem>> -> memref<1x128x64xf32, #tpu.memory_space<vmem>>
    %dma_wait3A_362 = tpu.memref_squeeze %dma_wait3A_361 : memref<1x128x64xf32, #tpu.memory_space<vmem>> -> memref<128x64xf32, #tpu.memory_space<vmem>>
    %dma_wait3A_363 = arith.constant 0 : i32
    %dma_wait3A_364 = tpu.memref_slice %arg4[%add3A_357, %dma_wait3A_363] : memref<819200x64xf32, #tpu.memory_space<hbm>> -> memref<128x64xf32, #tpu.memory_space<hbm>>
    %dma_wait3A_365 = arith.constant 0 : i32
    %dma_wait3A_366 = tpu.memref_slice %arg4[%add3A_357, %dma_wait3A_365] : memref<819200x64xf32, #tpu.memory_space<hbm>> -> memref<128x64xf32, #tpu.memory_space<hbm>>
    %dma_wait3A_367 = arith.constant 0 : i32
    %dma_wait3A_368 = arith.constant 0 : i32
    %dma_wait3A_369 = tpu.memref_slice %arg6[%dma_wait3A_358, %dma_wait3A_367, %dma_wait3A_368] : memref<8x128x64xf32, #tpu.memory_space<vmem>> -> memref<1x128x64xf32, #tpu.memory_space<vmem>>
    %dma_wait3A_370 = tpu.memref_squeeze %dma_wait3A_369 : memref<1x128x64xf32, #tpu.memory_space<vmem>> -> memref<128x64xf32, #tpu.memory_space<vmem>>
    tpu.wait_dma2 semaphore(%arg19 : memref<!tpu.dma_semaphore, #tpu.memory_space<semaphore_mem>>) src(%dma_wait3A_370 : memref<128x64xf32, #tpu.memory_space<vmem>>) dst(%dma_wait3A_366 : memref<128x64xf32, #tpu.memory_space<hbm>>)
    %dma_start3A_371 = arith.constant 4 : i32
    %dma_start3A_372 = arith.constant 0 : i32
    %dma_start3A_373 = arith.constant 0 : i32
    %dma_start3A_374 = tpu.memref_slice %arg6[%dma_start3A_371, %dma_start3A_372, %dma_start3A_373] : memref<8x128x64xf32, #tpu.memory_space<vmem>> -> memref<1x128x64xf32, #tpu.memory_space<vmem>>
    %dma_start3A_375 = tpu.memref_squeeze %dma_start3A_374 : memref<1x128x64xf32, #tpu.memory_space<vmem>> -> memref<128x64xf32, #tpu.memory_space<vmem>>
    %dma_start3A_376 = arith.constant 1536 : i32
    %dma_start3A_377 = tpu.memref_slice %arg5[%dma_start3A_376] : memref<25600xi32, #tpu.memory_space<vmem>> -> memref<128xi32, #tpu.memory_space<vmem>>
    %dma_start3A_378 = arith.constant 0 : i32
    %dma_start3A_379 = arith.constant 0 : i32
    %dma_start3A_380 = tpu.memref_slice %arg3[%dma_start3A_378, %dma_start3A_379] : memref<1000000x64xf32, #tpu.memory_space<hbm>> -> memref<1000000x64xf32, #tpu.memory_space<hbm>>
    tpu.enqueue_indirect_dma source(%dma_start3A_380 : memref<1000000x64xf32, #tpu.memory_space<hbm>>) target(%dma_start3A_375 : memref<128x64xf32, #tpu.memory_space<vmem>>) offsets(%dma_start3A_377 : memref<128xi32, #tpu.memory_space<vmem>>) semaphore(%arg11 : memref<!tpu.dma_semaphore, #tpu.memory_space<semaphore_mem>>)
    %dma_wait3A_381 = arith.constant 7 : i32
    %dma_wait3A_382 = arith.constant 0 : i32
    %dma_wait3A_383 = arith.constant 0 : i32
    %dma_wait3A_384 = tpu.memref_slice %arg6[%dma_wait3A_381, %dma_wait3A_382, %dma_wait3A_383] : memref<8x128x64xf32, #tpu.memory_space<vmem>> -> memref<1x128x64xf32, #tpu.memory_space<vmem>>
    %dma_wait3A_385 = tpu.memref_squeeze %dma_wait3A_384 : memref<1x128x64xf32, #tpu.memory_space<vmem>> -> memref<128x64xf32, #tpu.memory_space<vmem>>
    %dma_wait3A_386 = arith.constant 896 : i32
    %dma_wait3A_387 = tpu.memref_slice %arg5[%dma_wait3A_386] : memref<25600xi32, #tpu.memory_space<vmem>> -> memref<128xi32, #tpu.memory_space<vmem>>
    %dma_wait3A_388 = arith.constant 0 : i32
    %dma_wait3A_389 = arith.constant 0 : i32
    %dma_wait3A_390 = tpu.memref_slice %arg3[%dma_wait3A_388, %dma_wait3A_389] : memref<1000000x64xf32, #tpu.memory_space<hbm>> -> memref<1000000x64xf32, #tpu.memory_space<hbm>>
    tpu.wait_indirect_dma semaphore(%arg14 : memref<!tpu.dma_semaphore, #tpu.memory_space<semaphore_mem>>) src(%dma_wait3A_390 : memref<1000000x64xf32, #tpu.memory_space<hbm>>) dst(%dma_wait3A_385 : memref<128x64xf32, #tpu.memory_space<vmem>>)
    %add3A_391 = arith.constant 896 : i32
    %add3A_392 = arith.addi %mul3A_2, %add3A_391 : i32
    %dma_start3A_393 = arith.constant 7 : i32
    %dma_start3A_394 = arith.constant 0 : i32
    %dma_start3A_395 = arith.constant 0 : i32
    %dma_start3A_396 = tpu.memref_slice %arg6[%dma_start3A_393, %dma_start3A_394, %dma_start3A_395] : memref<8x128x64xf32, #tpu.memory_space<vmem>> -> memref<1x128x64xf32, #tpu.memory_space<vmem>>
    %dma_start3A_397 = tpu.memref_squeeze %dma_start3A_396 : memref<1x128x64xf32, #tpu.memory_space<vmem>> -> memref<128x64xf32, #tpu.memory_space<vmem>>
    %dma_start3A_398 = arith.constant 0 : i32
    %dma_start3A_399 = tpu.memref_slice %arg4[%add3A_392, %dma_start3A_398] : memref<819200x64xf32, #tpu.memory_space<hbm>> -> memref<128x64xf32, #tpu.memory_space<hbm>>
    %dma_start3A_400 = arith.constant 0 : i32
    %dma_start3A_401 = tpu.memref_slice %arg4[%add3A_392, %dma_start3A_400] : memref<819200x64xf32, #tpu.memory_space<hbm>> -> memref<128x64xf32, #tpu.memory_space<hbm>>
    %dma_start3A_402 = arith.constant 0 : i32
    %dma_start3A_403 = arith.constant 0 : i32
    %dma_start3A_404 = tpu.memref_slice %arg6[%dma_start3A_393, %dma_start3A_402, %dma_start3A_403] : memref<8x128x64xf32, #tpu.memory_space<vmem>> -> memref<1x128x64xf32, #tpu.memory_space<vmem>>
    %dma_start3A_405 = tpu.memref_squeeze %dma_start3A_404 : memref<1x128x64xf32, #tpu.memory_space<vmem>> -> memref<128x64xf32, #tpu.memory_space<vmem>>
    tpu.enqueue_dma source(%dma_start3A_405 : memref<128x64xf32, #tpu.memory_space<vmem>>) target(%dma_start3A_401 : memref<128x64xf32, #tpu.memory_space<hbm>>) target_semaphore(%arg22 : memref<!tpu.dma_semaphore, #tpu.memory_space<semaphore_mem>>)
    %add3A_406 = arith.constant 640 : i32
    %add3A_407 = arith.addi %mul3A_2, %add3A_406 : i32
    %dma_wait3A_408 = arith.constant 5 : i32
    %dma_wait3A_409 = arith.constant 0 : i32
    %dma_wait3A_410 = arith.constant 0 : i32
    %dma_wait3A_411 = tpu.memref_slice %arg6[%dma_wait3A_408, %dma_wait3A_409, %dma_wait3A_410] : memref<8x128x64xf32, #tpu.memory_space<vmem>> -> memref<1x128x64xf32, #tpu.memory_space<vmem>>
    %dma_wait3A_412 = tpu.memref_squeeze %dma_wait3A_411 : memref<1x128x64xf32, #tpu.memory_space<vmem>> -> memref<128x64xf32, #tpu.memory_space<vmem>>
    %dma_wait3A_413 = arith.constant 0 : i32
    %dma_wait3A_414 = tpu.memref_slice %arg4[%add3A_407, %dma_wait3A_413] : memref<819200x64xf32, #tpu.memory_space<hbm>> -> memref<128x64xf32, #tpu.memory_space<hbm>>
    %dma_wait3A_415 = arith.constant 0 : i32
    %dma_wait3A_416 = tpu.memref_slice %arg4[%add3A_407, %dma_wait3A_415] : memref<819200x64xf32, #tpu.memory_space<hbm>> -> memref<128x64xf32, #tpu.memory_space<hbm>>
    %dma_wait3A_417 = arith.constant 0 : i32
    %dma_wait3A_418 = arith.constant 0 : i32
    %dma_wait3A_419 = tpu.memref_slice %arg6[%dma_wait3A_408, %dma_wait3A_417, %dma_wait3A_418] : memref<8x128x64xf32, #tpu.memory_space<vmem>> -> memref<1x128x64xf32, #tpu.memory_space<vmem>>
    %dma_wait3A_420 = tpu.memref_squeeze %dma_wait3A_419 : memref<1x128x64xf32, #tpu.memory_space<vmem>> -> memref<128x64xf32, #tpu.memory_space<vmem>>
    tpu.wait_dma2 semaphore(%arg20 : memref<!tpu.dma_semaphore, #tpu.memory_space<semaphore_mem>>) src(%dma_wait3A_420 : memref<128x64xf32, #tpu.memory_space<vmem>>) dst(%dma_wait3A_416 : memref<128x64xf32, #tpu.memory_space<hbm>>)
    %dma_start3A_421 = arith.constant 5 : i32
    %dma_start3A_422 = arith.constant 0 : i32
    %dma_start3A_423 = arith.constant 0 : i32
    %dma_start3A_424 = tpu.memref_slice %arg6[%dma_start3A_421, %dma_start3A_422, %dma_start3A_423] : memref<8x128x64xf32, #tpu.memory_space<vmem>> -> memref<1x128x64xf32, #tpu.memory_space<vmem>>
    %dma_start3A_425 = tpu.memref_squeeze %dma_start3A_424 : memref<1x128x64xf32, #tpu.memory_space<vmem>> -> memref<128x64xf32, #tpu.memory_space<vmem>>
    %dma_start3A_426 = arith.constant 1664 : i32
    %dma_start3A_427 = tpu.memref_slice %arg5[%dma_start3A_426] : memref<25600xi32, #tpu.memory_space<vmem>> -> memref<128xi32, #tpu.memory_space<vmem>>
    %dma_start3A_428 = arith.constant 0 : i32
    %dma_start3A_429 = arith.constant 0 : i32
    %dma_start3A_430 = tpu.memref_slice %arg3[%dma_start3A_428, %dma_start3A_429] : memref<1000000x64xf32, #tpu.memory_space<hbm>> -> memref<1000000x64xf32, #tpu.memory_space<hbm>>
    tpu.enqueue_indirect_dma source(%dma_start3A_430 : memref<1000000x64xf32, #tpu.memory_space<hbm>>) target(%dma_start3A_425 : memref<128x64xf32, #tpu.memory_space<vmem>>) offsets(%dma_start3A_427 : memref<128xi32, #tpu.memory_space<vmem>>) semaphore(%arg12 : memref<!tpu.dma_semaphore, #tpu.memory_space<semaphore_mem>>)
    %scan3A = arith.constant 0 : i32
    %scan3A_431 = arith.constant 1 : i32
    %scan3A_432 = arith.constant 23 : i32
    %scan3A_433 = arith.addi %scan3A_431, %scan3A_432 : i32
    %scan3A_434 = arith.constant 1 : i32
    %scan3A_435 = scf.for %scan3A_807 = %scan3A_431 to %scan3A_433 step %scan3A_434 iter_args(%scan3A_808 = %scan3A) -> (i32)  : i32 {
      %mul3A_809 = arith.constant 8 : i32
      %mul3A_810 = arith.muli %scan3A_807, %mul3A_809 : i32
      %add3A_811 = arith.constant 0 : i32
      %add3A_812 = arith.addi %mul3A_810, %add3A_811 : i32
      %mul3A_813 = arith.constant 128 : i32
      %mul3A_814 = arith.muli %add3A_812, %mul3A_813 : i32
      %dma_wait3A_815 = arith.constant 0 : i32
      %dma_wait3A_816 = arith.constant 0 : i32
      %dma_wait3A_817 = arith.constant 0 : i32
      %dma_wait3A_818 = tpu.memref_slice %arg6[%dma_wait3A_815, %dma_wait3A_816, %dma_wait3A_817] : memref<8x128x64xf32, #tpu.memory_space<vmem>> -> memref<1x128x64xf32, #tpu.memory_space<vmem>>
      %dma_wait3A_819 = tpu.memref_squeeze %dma_wait3A_818 : memref<1x128x64xf32, #tpu.memory_space<vmem>> -> memref<128x64xf32, #tpu.memory_space<vmem>>
      %dma_wait3A_820 = tpu.memref_slice %arg5[%mul3A_814] : memref<25600xi32, #tpu.memory_space<vmem>> -> memref<128xi32, #tpu.memory_space<vmem>>
      %dma_wait3A_821 = arith.constant 0 : i32
      %dma_wait3A_822 = arith.constant 0 : i32
      %dma_wait3A_823 = tpu.memref_slice %arg3[%dma_wait3A_821, %dma_wait3A_822] : memref<1000000x64xf32, #tpu.memory_space<hbm>> -> memref<1000000x64xf32, #tpu.memory_space<hbm>>
      tpu.wait_indirect_dma semaphore(%arg7 : memref<!tpu.dma_semaphore, #tpu.memory_space<semaphore_mem>>) src(%dma_wait3A_823 : memref<1000000x64xf32, #tpu.memory_space<hbm>>) dst(%dma_wait3A_819 : memref<128x64xf32, #tpu.memory_space<vmem>>)
      %mul3A_824 = arith.constant 128 : i32
      %mul3A_825 = arith.muli %add3A_812, %mul3A_824 : i32
      %add3A_826 = arith.addi %mul3A_2, %mul3A_825 : i32
      %dma_start3A_827 = arith.constant 0 : i32
      %dma_start3A_828 = arith.constant 0 : i32
      %dma_start3A_829 = arith.constant 0 : i32
      %dma_start3A_830 = tpu.memref_slice %arg6[%dma_start3A_827, %dma_start3A_828, %dma_start3A_829] : memref<8x128x64xf32, #tpu.memory_space<vmem>> -> memref<1x128x64xf32, #tpu.memory_space<vmem>>
      %dma_start3A_831 = tpu.memref_squeeze %dma_start3A_830 : memref<1x128x64xf32, #tpu.memory_space<vmem>> -> memref<128x64xf32, #tpu.memory_space<vmem>>
      %dma_start3A_832 = arith.constant 0 : i32
      %dma_start3A_833 = tpu.memref_slice %arg4[%add3A_826, %dma_start3A_832] : memref<819200x64xf32, #tpu.memory_space<hbm>> -> memref<128x64xf32, #tpu.memory_space<hbm>>
      %dma_start3A_834 = arith.constant 0 : i32
      %dma_start3A_835 = tpu.memref_slice %arg4[%add3A_826, %dma_start3A_834] : memref<819200x64xf32, #tpu.memory_space<hbm>> -> memref<128x64xf32, #tpu.memory_space<hbm>>
      %dma_start3A_836 = arith.constant 0 : i32
      %dma_start3A_837 = arith.constant 0 : i32
      %dma_start3A_838 = tpu.memref_slice %arg6[%dma_start3A_827, %dma_start3A_836, %dma_start3A_837] : memref<8x128x64xf32, #tpu.memory_space<vmem>> -> memref<1x128x64xf32, #tpu.memory_space<vmem>>
      %dma_start3A_839 = tpu.memref_squeeze %dma_start3A_838 : memref<1x128x64xf32, #tpu.memory_space<vmem>> -> memref<128x64xf32, #tpu.memory_space<vmem>>
      tpu.enqueue_dma source(%dma_start3A_839 : memref<128x64xf32, #tpu.memory_space<vmem>>) target(%dma_start3A_835 : memref<128x64xf32, #tpu.memory_space<hbm>>) target_semaphore(%arg15 : memref<!tpu.dma_semaphore, #tpu.memory_space<semaphore_mem>>)
      %add3A_840 = arith.constant 6 : i32
      %add3A_841 = arith.addi %add3A_812, %add3A_840 : i32
      %sub3A = arith.constant 8 : i32
      %sub3A_842 = arith.subi %add3A_841, %sub3A : i32
      %mul3A_843 = arith.constant 128 : i32
      %mul3A_844 = arith.muli %sub3A_842, %mul3A_843 : i32
      %add3A_845 = arith.addi %mul3A_2, %mul3A_844 : i32
      %dma_wait3A_846 = arith.constant 6 : i32
      %dma_wait3A_847 = arith.constant 0 : i32
      %dma_wait3A_848 = arith.constant 0 : i32
      %dma_wait3A_849 = tpu.memref_slice %arg6[%dma_wait3A_846, %dma_wait3A_847, %dma_wait3A_848] : memref<8x128x64xf32, #tpu.memory_space<vmem>> -> memref<1x128x64xf32, #tpu.memory_space<vmem>>
      %dma_wait3A_850 = tpu.memref_squeeze %dma_wait3A_849 : memref<1x128x64xf32, #tpu.memory_space<vmem>> -> memref<128x64xf32, #tpu.memory_space<vmem>>
      %dma_wait3A_851 = arith.constant 0 : i32
      %dma_wait3A_852 = tpu.memref_slice %arg4[%add3A_845, %dma_wait3A_851] : memref<819200x64xf32, #tpu.memory_space<hbm>> -> memref<128x64xf32, #tpu.memory_space<hbm>>
      %dma_wait3A_853 = arith.constant 0 : i32
      %dma_wait3A_854 = tpu.memref_slice %arg4[%add3A_845, %dma_wait3A_853] : memref<819200x64xf32, #tpu.memory_space<hbm>> -> memref<128x64xf32, #tpu.memory_space<hbm>>
      %dma_wait3A_855 = arith.constant 0 : i32
      %dma_wait3A_856 = arith.constant 0 : i32
      %dma_wait3A_857 = tpu.memref_slice %arg6[%dma_wait3A_846, %dma_wait3A_855, %dma_wait3A_856] : memref<8x128x64xf32, #tpu.memory_space<vmem>> -> memref<1x128x64xf32, #tpu.memory_space<vmem>>
      %dma_wait3A_858 = tpu.memref_squeeze %dma_wait3A_857 : memref<1x128x64xf32, #tpu.memory_space<vmem>> -> memref<128x64xf32, #tpu.memory_space<vmem>>
      tpu.wait_dma2 semaphore(%arg21 : memref<!tpu.dma_semaphore, #tpu.memory_space<semaphore_mem>>) src(%dma_wait3A_858 : memref<128x64xf32, #tpu.memory_space<vmem>>) dst(%dma_wait3A_854 : memref<128x64xf32, #tpu.memory_space<hbm>>)
      %add3A_859 = arith.constant 6 : i32
      %add3A_860 = arith.addi %add3A_812, %add3A_859 : i32
      %mul3A_861 = arith.constant 128 : i32
      %mul3A_862 = arith.muli %add3A_860, %mul3A_861 : i32
      %dma_start3A_863 = arith.constant 6 : i32
      %dma_start3A_864 = arith.constant 0 : i32
      %dma_start3A_865 = arith.constant 0 : i32
      %dma_start3A_866 = tpu.memref_slice %arg6[%dma_start3A_863, %dma_start3A_864, %dma_start3A_865] : memref<8x128x64xf32, #tpu.memory_space<vmem>> -> memref<1x128x64xf32, #tpu.memory_space<vmem>>
      %dma_start3A_867 = tpu.memref_squeeze %dma_start3A_866 : memref<1x128x64xf32, #tpu.memory_space<vmem>> -> memref<128x64xf32, #tpu.memory_space<vmem>>
      %dma_start3A_868 = tpu.memref_slice %arg5[%mul3A_862] : memref<25600xi32, #tpu.memory_space<vmem>> -> memref<128xi32, #tpu.memory_space<vmem>>
      %dma_start3A_869 = arith.constant 0 : i32
      %dma_start3A_870 = arith.constant 0 : i32
      %dma_start3A_871 = tpu.memref_slice %arg3[%dma_start3A_869, %dma_start3A_870] : memref<1000000x64xf32, #tpu.memory_space<hbm>> -> memref<1000000x64xf32, #tpu.memory_space<hbm>>
      tpu.enqueue_indirect_dma source(%dma_start3A_871 : memref<1000000x64xf32, #tpu.memory_space<hbm>>) target(%dma_start3A_867 : memref<128x64xf32, #tpu.memory_space<vmem>>) offsets(%dma_start3A_868 : memref<128xi32, #tpu.memory_space<vmem>>) semaphore(%arg13 : memref<!tpu.dma_semaphore, #tpu.memory_space<semaphore_mem>>)
      %mul3A_872 = arith.constant 8 : i32
      %mul3A_873 = arith.muli %scan3A_807, %mul3A_872 : i32
      %add3A_874 = arith.constant 1 : i32
      %add3A_875 = arith.addi %mul3A_873, %add3A_874 : i32
      %mul3A_876 = arith.constant 128 : i32
      %mul3A_877 = arith.muli %add3A_875, %mul3A_876 : i32
      %dma_wait3A_878 = arith.constant 1 : i32
      %dma_wait3A_879 = arith.constant 0 : i32
      %dma_wait3A_880 = arith.constant 0 : i32
      %dma_wait3A_881 = tpu.memref_slice %arg6[%dma_wait3A_878, %dma_wait3A_879, %dma_wait3A_880] : memref<8x128x64xf32, #tpu.memory_space<vmem>> -> memref<1x128x64xf32, #tpu.memory_space<vmem>>
      %dma_wait3A_882 = tpu.memref_squeeze %dma_wait3A_881 : memref<1x128x64xf32, #tpu.memory_space<vmem>> -> memref<128x64xf32, #tpu.memory_space<vmem>>
      %dma_wait3A_883 = tpu.memref_slice %arg5[%mul3A_877] : memref<25600xi32, #tpu.memory_space<vmem>> -> memref<128xi32, #tpu.memory_space<vmem>>
      %dma_wait3A_884 = arith.constant 0 : i32
      %dma_wait3A_885 = arith.constant 0 : i32
      %dma_wait3A_886 = tpu.memref_slice %arg3[%dma_wait3A_884, %dma_wait3A_885] : memref<1000000x64xf32, #tpu.memory_space<hbm>> -> memref<1000000x64xf32, #tpu.memory_space<hbm>>
      tpu.wait_indirect_dma semaphore(%arg8 : memref<!tpu.dma_semaphore, #tpu.memory_space<semaphore_mem>>) src(%dma_wait3A_886 : memref<1000000x64xf32, #tpu.memory_space<hbm>>) dst(%dma_wait3A_882 : memref<128x64xf32, #tpu.memory_space<vmem>>)
      %mul3A_887 = arith.constant 128 : i32
      %mul3A_888 = arith.muli %add3A_875, %mul3A_887 : i32
      %add3A_889 = arith.addi %mul3A_2, %mul3A_888 : i32
      %dma_start3A_890 = arith.constant 1 : i32
      %dma_start3A_891 = arith.constant 0 : i32
      %dma_start3A_892 = arith.constant 0 : i32
      %dma_start3A_893 = tpu.memref_slice %arg6[%dma_start3A_890, %dma_start3A_891, %dma_start3A_892] : memref<8x128x64xf32, #tpu.memory_space<vmem>> -> memref<1x128x64xf32, #tpu.memory_space<vmem>>
      %dma_start3A_894 = tpu.memref_squeeze %dma_start3A_893 : memref<1x128x64xf32, #tpu.memory_space<vmem>> -> memref<128x64xf32, #tpu.memory_space<vmem>>
      %dma_start3A_895 = arith.constant 0 : i32
      %dma_start3A_896 = tpu.memref_slice %arg4[%add3A_889, %dma_start3A_895] : memref<819200x64xf32, #tpu.memory_space<hbm>> -> memref<128x64xf32, #tpu.memory_space<hbm>>
      %dma_start3A_897 = arith.constant 0 : i32
      %dma_start3A_898 = tpu.memref_slice %arg4[%add3A_889, %dma_start3A_897] : memref<819200x64xf32, #tpu.memory_space<hbm>> -> memref<128x64xf32, #tpu.memory_space<hbm>>
      %dma_start3A_899 = arith.constant 0 : i32
      %dma_start3A_900 = arith.constant 0 : i32
      %dma_start3A_901 = tpu.memref_slice %arg6[%dma_start3A_890, %dma_start3A_899, %dma_start3A_900] : memref<8x128x64xf32, #tpu.memory_space<vmem>> -> memref<1x128x64xf32, #tpu.memory_space<vmem>>
      %dma_start3A_902 = tpu.memref_squeeze %dma_start3A_901 : memref<1x128x64xf32, #tpu.memory_space<vmem>> -> memref<128x64xf32, #tpu.memory_space<vmem>>
      tpu.enqueue_dma source(%dma_start3A_902 : memref<128x64xf32, #tpu.memory_space<vmem>>) target(%dma_start3A_898 : memref<128x64xf32, #tpu.memory_space<hbm>>) target_semaphore(%arg16 : memref<!tpu.dma_semaphore, #tpu.memory_space<semaphore_mem>>)
      %add3A_903 = arith.constant 6 : i32
      %add3A_904 = arith.addi %add3A_875, %add3A_903 : i32
      %sub3A_905 = arith.constant 8 : i32
      %sub3A_906 = arith.subi %add3A_904, %sub3A_905 : i32
      %mul3A_907 = arith.constant 128 : i32
      %mul3A_908 = arith.muli %sub3A_906, %mul3A_907 : i32
      %add3A_909 = arith.addi %mul3A_2, %mul3A_908 : i32
      %dma_wait3A_910 = arith.constant 7 : i32
      %dma_wait3A_911 = arith.constant 0 : i32
      %dma_wait3A_912 = arith.constant 0 : i32
      %dma_wait3A_913 = tpu.memref_slice %arg6[%dma_wait3A_910, %dma_wait3A_911, %dma_wait3A_912] : memref<8x128x64xf32, #tpu.memory_space<vmem>> -> memref<1x128x64xf32, #tpu.memory_space<vmem>>
      %dma_wait3A_914 = tpu.memref_squeeze %dma_wait3A_913 : memref<1x128x64xf32, #tpu.memory_space<vmem>> -> memref<128x64xf32, #tpu.memory_space<vmem>>
      %dma_wait3A_915 = arith.constant 0 : i32
      %dma_wait3A_916 = tpu.memref_slice %arg4[%add3A_909, %dma_wait3A_915] : memref<819200x64xf32, #tpu.memory_space<hbm>> -> memref<128x64xf32, #tpu.memory_space<hbm>>
      %dma_wait3A_917 = arith.constant 0 : i32
      %dma_wait3A_918 = tpu.memref_slice %arg4[%add3A_909, %dma_wait3A_917] : memref<819200x64xf32, #tpu.memory_space<hbm>> -> memref<128x64xf32, #tpu.memory_space<hbm>>
      %dma_wait3A_919 = arith.constant 0 : i32
      %dma_wait3A_920 = arith.constant 0 : i32
      %dma_wait3A_921 = tpu.memref_slice %arg6[%dma_wait3A_910, %dma_wait3A_919, %dma_wait3A_920] : memref<8x128x64xf32, #tpu.memory_space<vmem>> -> memref<1x128x64xf32, #tpu.memory_space<vmem>>
      %dma_wait3A_922 = tpu.memref_squeeze %dma_wait3A_921 : memref<1x128x64xf32, #tpu.memory_space<vmem>> -> memref<128x64xf32, #tpu.memory_space<vmem>>
      tpu.wait_dma2 semaphore(%arg22 : memref<!tpu.dma_semaphore, #tpu.memory_space<semaphore_mem>>) src(%dma_wait3A_922 : memref<128x64xf32, #tpu.memory_space<vmem>>) dst(%dma_wait3A_918 : memref<128x64xf32, #tpu.memory_space<hbm>>)
      %add3A_923 = arith.constant 6 : i32
      %add3A_924 = arith.addi %add3A_875, %add3A_923 : i32
      %mul3A_925 = arith.constant 128 : i32
      %mul3A_926 = arith.muli %add3A_924, %mul3A_925 : i32
      %dma_start3A_927 = arith.constant 7 : i32
      %dma_start3A_928 = arith.constant 0 : i32
      %dma_start3A_929 = arith.constant 0 : i32
      %dma_start3A_930 = tpu.memref_slice %arg6[%dma_start3A_927, %dma_start3A_928, %dma_start3A_929] : memref<8x128x64xf32, #tpu.memory_space<vmem>> -> memref<1x128x64xf32, #tpu.memory_space<vmem>>
      %dma_start3A_931 = tpu.memref_squeeze %dma_start3A_930 : memref<1x128x64xf32, #tpu.memory_space<vmem>> -> memref<128x64xf32, #tpu.memory_space<vmem>>
      %dma_start3A_932 = tpu.memref_slice %arg5[%mul3A_926] : memref<25600xi32, #tpu.memory_space<vmem>> -> memref<128xi32, #tpu.memory_space<vmem>>
      %dma_start3A_933 = arith.constant 0 : i32
      %dma_start3A_934 = arith.constant 0 : i32
      %dma_start3A_935 = tpu.memref_slice %arg3[%dma_start3A_933, %dma_start3A_934] : memref<1000000x64xf32, #tpu.memory_space<hbm>> -> memref<1000000x64xf32, #tpu.memory_space<hbm>>
      tpu.enqueue_indirect_dma source(%dma_start3A_935 : memref<1000000x64xf32, #tpu.memory_space<hbm>>) target(%dma_start3A_931 : memref<128x64xf32, #tpu.memory_space<vmem>>) offsets(%dma_start3A_932 : memref<128xi32, #tpu.memory_space<vmem>>) semaphore(%arg14 : memref<!tpu.dma_semaphore, #tpu.memory_space<semaphore_mem>>)
      %mul3A_936 = arith.constant 8 : i32
      %mul3A_937 = arith.muli %scan3A_807, %mul3A_936 : i32
      %add3A_938 = arith.constant 2 : i32
      %add3A_939 = arith.addi %mul3A_937, %add3A_938 : i32
      %mul3A_940 = arith.constant 128 : i32
      %mul3A_941 = arith.muli %add3A_939, %mul3A_940 : i32
      %dma_wait3A_942 = arith.constant 2 : i32
      %dma_wait3A_943 = arith.constant 0 : i32
      %dma_wait3A_944 = arith.constant 0 : i32
      %dma_wait3A_945 = tpu.memref_slice %arg6[%dma_wait3A_942, %dma_wait3A_943, %dma_wait3A_944] : memref<8x128x64xf32, #tpu.memory_space<vmem>> -> memref<1x128x64xf32, #tpu.memory_space<vmem>>
      %dma_wait3A_946 = tpu.memref_squeeze %dma_wait3A_945 : memref<1x128x64xf32, #tpu.memory_space<vmem>> -> memref<128x64xf32, #tpu.memory_space<vmem>>
      %dma_wait3A_947 = tpu.memref_slice %arg5[%mul3A_941] : memref<25600xi32, #tpu.memory_space<vmem>> -> memref<128xi32, #tpu.memory_space<vmem>>
      %dma_wait3A_948 = arith.constant 0 : i32
      %dma_wait3A_949 = arith.constant 0 : i32
      %dma_wait3A_950 = tpu.memref_slice %arg3[%dma_wait3A_948, %dma_wait3A_949] : memref<1000000x64xf32, #tpu.memory_space<hbm>> -> memref<1000000x64xf32, #tpu.memory_space<hbm>>
      tpu.wait_indirect_dma semaphore(%arg9 : memref<!tpu.dma_semaphore, #tpu.memory_space<semaphore_mem>>) src(%dma_wait3A_950 : memref<1000000x64xf32, #tpu.memory_space<hbm>>) dst(%dma_wait3A_946 : memref<128x64xf32, #tpu.memory_space<vmem>>)
      %mul3A_951 = arith.constant 128 : i32
      %mul3A_952 = arith.muli %add3A_939, %mul3A_951 : i32
      %add3A_953 = arith.addi %mul3A_2, %mul3A_952 : i32
      %dma_start3A_954 = arith.constant 2 : i32
      %dma_start3A_955 = arith.constant 0 : i32
      %dma_start3A_956 = arith.constant 0 : i32
      %dma_start3A_957 = tpu.memref_slice %arg6[%dma_start3A_954, %dma_start3A_955, %dma_start3A_956] : memref<8x128x64xf32, #tpu.memory_space<vmem>> -> memref<1x128x64xf32, #tpu.memory_space<vmem>>
      %dma_start3A_958 = tpu.memref_squeeze %dma_start3A_957 : memref<1x128x64xf32, #tpu.memory_space<vmem>> -> memref<128x64xf32, #tpu.memory_space<vmem>>
      %dma_start3A_959 = arith.constant 0 : i32
      %dma_start3A_960 = tpu.memref_slice %arg4[%add3A_953, %dma_start3A_959] : memref<819200x64xf32, #tpu.memory_space<hbm>> -> memref<128x64xf32, #tpu.memory_space<hbm>>
      %dma_start3A_961 = arith.constant 0 : i32
      %dma_start3A_962 = tpu.memref_slice %arg4[%add3A_953, %dma_start3A_961] : memref<819200x64xf32, #tpu.memory_space<hbm>> -> memref<128x64xf32, #tpu.memory_space<hbm>>
      %dma_start3A_963 = arith.constant 0 : i32
      %dma_start3A_964 = arith.constant 0 : i32
      %dma_start3A_965 = tpu.memref_slice %arg6[%dma_start3A_954, %dma_start3A_963, %dma_start3A_964] : memref<8x128x64xf32, #tpu.memory_space<vmem>> -> memref<1x128x64xf32, #tpu.memory_space<vmem>>
      %dma_start3A_966 = tpu.memref_squeeze %dma_start3A_965 : memref<1x128x64xf32, #tpu.memory_space<vmem>> -> memref<128x64xf32, #tpu.memory_space<vmem>>
      tpu.enqueue_dma source(%dma_start3A_966 : memref<128x64xf32, #tpu.memory_space<vmem>>) target(%dma_start3A_962 : memref<128x64xf32, #tpu.memory_space<hbm>>) target_semaphore(%arg17 : memref<!tpu.dma_semaphore, #tpu.memory_space<semaphore_mem>>)
      %add3A_967 = arith.constant 6 : i32
      %add3A_968 = arith.addi %add3A_939, %add3A_967 : i32
      %sub3A_969 = arith.constant 8 : i32
      %sub3A_970 = arith.subi %add3A_968, %sub3A_969 : i32
      %mul3A_971 = arith.constant 128 : i32
      %mul3A_972 = arith.muli %sub3A_970, %mul3A_971 : i32
      %add3A_973 = arith.addi %mul3A_2, %mul3A_972 : i32
      %dma_wait3A_974 = arith.constant 0 : i32
      %dma_wait3A_975 = arith.constant 0 : i32
      %dma_wait3A_976 = arith.constant 0 : i32
      %dma_wait3A_977 = tpu.memref_slice %arg6[%dma_wait3A_974, %dma_wait3A_975, %dma_wait3A_976] : memref<8x128x64xf32, #tpu.memory_space<vmem>> -> memref<1x128x64xf32, #tpu.memory_space<vmem>>
      %dma_wait3A_978 = tpu.memref_squeeze %dma_wait3A_977 : memref<1x128x64xf32, #tpu.memory_space<vmem>> -> memref<128x64xf32, #tpu.memory_space<vmem>>
      %dma_wait3A_979 = arith.constant 0 : i32
      %dma_wait3A_980 = tpu.memref_slice %arg4[%add3A_973, %dma_wait3A_979] : memref<819200x64xf32, #tpu.memory_space<hbm>> -> memref<128x64xf32, #tpu.memory_space<hbm>>
      %dma_wait3A_981 = arith.constant 0 : i32
      %dma_wait3A_982 = tpu.memref_slice %arg4[%add3A_973, %dma_wait3A_981] : memref<819200x64xf32, #tpu.memory_space<hbm>> -> memref<128x64xf32, #tpu.memory_space<hbm>>
      %dma_wait3A_983 = arith.constant 0 : i32
      %dma_wait3A_984 = arith.constant 0 : i32
      %dma_wait3A_985 = tpu.memref_slice %arg6[%dma_wait3A_974, %dma_wait3A_983, %dma_wait3A_984] : memref<8x128x64xf32, #tpu.memory_space<vmem>> -> memref<1x128x64xf32, #tpu.memory_space<vmem>>
      %dma_wait3A_986 = tpu.memref_squeeze %dma_wait3A_985 : memref<1x128x64xf32, #tpu.memory_space<vmem>> -> memref<128x64xf32, #tpu.memory_space<vmem>>
      tpu.wait_dma2 semaphore(%arg15 : memref<!tpu.dma_semaphore, #tpu.memory_space<semaphore_mem>>) src(%dma_wait3A_986 : memref<128x64xf32, #tpu.memory_space<vmem>>) dst(%dma_wait3A_982 : memref<128x64xf32, #tpu.memory_space<hbm>>)
      %add3A_987 = arith.constant 6 : i32
      %add3A_988 = arith.addi %add3A_939, %add3A_987 : i32
      %mul3A_989 = arith.constant 128 : i32
      %mul3A_990 = arith.muli %add3A_988, %mul3A_989 : i32
      %dma_start3A_991 = arith.constant 0 : i32
      %dma_start3A_992 = arith.constant 0 : i32
      %dma_start3A_993 = arith.constant 0 : i32
      %dma_start3A_994 = tpu.memref_slice %arg6[%dma_start3A_991, %dma_start3A_992, %dma_start3A_993] : memref<8x128x64xf32, #tpu.memory_space<vmem>> -> memref<1x128x64xf32, #tpu.memory_space<vmem>>
      %dma_start3A_995 = tpu.memref_squeeze %dma_start3A_994 : memref<1x128x64xf32, #tpu.memory_space<vmem>> -> memref<128x64xf32, #tpu.memory_space<vmem>>
      %dma_start3A_996 = tpu.memref_slice %arg5[%mul3A_990] : memref<25600xi32, #tpu.memory_space<vmem>> -> memref<128xi32, #tpu.memory_space<vmem>>
      %dma_start3A_997 = arith.constant 0 : i32
      %dma_start3A_998 = arith.constant 0 : i32
      %dma_start3A_999 = tpu.memref_slice %arg3[%dma_start3A_997, %dma_start3A_998] : memref<1000000x64xf32, #tpu.memory_space<hbm>> -> memref<1000000x64xf32, #tpu.memory_space<hbm>>
      tpu.enqueue_indirect_dma source(%dma_start3A_999 : memref<1000000x64xf32, #tpu.memory_space<hbm>>) target(%dma_start3A_995 : memref<128x64xf32, #tpu.memory_space<vmem>>) offsets(%dma_start3A_996 : memref<128xi32, #tpu.memory_space<vmem>>) semaphore(%arg7 : memref<!tpu.dma_semaphore, #tpu.memory_space<semaphore_mem>>)
      %mul3A_1000 = arith.constant 8 : i32
      %mul3A_1001 = arith.muli %scan3A_807, %mul3A_1000 : i32
      %add3A_1002 = arith.constant 3 : i32
      %add3A_1003 = arith.addi %mul3A_1001, %add3A_1002 : i32
      %mul3A_1004 = arith.constant 128 : i32
      %mul3A_1005 = arith.muli %add3A_1003, %mul3A_1004 : i32
      %dma_wait3A_1006 = arith.constant 3 : i32
      %dma_wait3A_1007 = arith.constant 0 : i32
      %dma_wait3A_1008 = arith.constant 0 : i32
      %dma_wait3A_1009 = tpu.memref_slice %arg6[%dma_wait3A_1006, %dma_wait3A_1007, %dma_wait3A_1008] : memref<8x128x64xf32, #tpu.memory_space<vmem>> -> memref<1x128x64xf32, #tpu.memory_space<vmem>>
      %dma_wait3A_1010 = tpu.memref_squeeze %dma_wait3A_1009 : memref<1x128x64xf32, #tpu.memory_space<vmem>> -> memref<128x64xf32, #tpu.memory_space<vmem>>
      %dma_wait3A_1011 = tpu.memref_slice %arg5[%mul3A_1005] : memref<25600xi32, #tpu.memory_space<vmem>> -> memref<128xi32, #tpu.memory_space<vmem>>
      %dma_wait3A_1012 = arith.constant 0 : i32
      %dma_wait3A_1013 = arith.constant 0 : i32
      %dma_wait3A_1014 = tpu.memref_slice %arg3[%dma_wait3A_1012, %dma_wait3A_1013] : memref<1000000x64xf32, #tpu.memory_space<hbm>> -> memref<1000000x64xf32, #tpu.memory_space<hbm>>
      tpu.wait_indirect_dma semaphore(%arg10 : memref<!tpu.dma_semaphore, #tpu.memory_space<semaphore_mem>>) src(%dma_wait3A_1014 : memref<1000000x64xf32, #tpu.memory_space<hbm>>) dst(%dma_wait3A_1010 : memref<128x64xf32, #tpu.memory_space<vmem>>)
      %mul3A_1015 = arith.constant 128 : i32
      %mul3A_1016 = arith.muli %add3A_1003, %mul3A_1015 : i32
      %add3A_1017 = arith.addi %mul3A_2, %mul3A_1016 : i32
      %dma_start3A_1018 = arith.constant 3 : i32
      %dma_start3A_1019 = arith.constant 0 : i32
      %dma_start3A_1020 = arith.constant 0 : i32
      %dma_start3A_1021 = tpu.memref_slice %arg6[%dma_start3A_1018, %dma_start3A_1019, %dma_start3A_1020] : memref<8x128x64xf32, #tpu.memory_space<vmem>> -> memref<1x128x64xf32, #tpu.memory_space<vmem>>
      %dma_start3A_1022 = tpu.memref_squeeze %dma_start3A_1021 : memref<1x128x64xf32, #tpu.memory_space<vmem>> -> memref<128x64xf32, #tpu.memory_space<vmem>>
      %dma_start3A_1023 = arith.constant 0 : i32
      %dma_start3A_1024 = tpu.memref_slice %arg4[%add3A_1017, %dma_start3A_1023] : memref<819200x64xf32, #tpu.memory_space<hbm>> -> memref<128x64xf32, #tpu.memory_space<hbm>>
      %dma_start3A_1025 = arith.constant 0 : i32
      %dma_start3A_1026 = tpu.memref_slice %arg4[%add3A_1017, %dma_start3A_1025] : memref<819200x64xf32, #tpu.memory_space<hbm>> -> memref<128x64xf32, #tpu.memory_space<hbm>>
      %dma_start3A_1027 = arith.constant 0 : i32
      %dma_start3A_1028 = arith.constant 0 : i32
      %dma_start3A_1029 = tpu.memref_slice %arg6[%dma_start3A_1018, %dma_start3A_1027, %dma_start3A_1028] : memref<8x128x64xf32, #tpu.memory_space<vmem>> -> memref<1x128x64xf32, #tpu.memory_space<vmem>>
      %dma_start3A_1030 = tpu.memref_squeeze %dma_start3A_1029 : memref<1x128x64xf32, #tpu.memory_space<vmem>> -> memref<128x64xf32, #tpu.memory_space<vmem>>
      tpu.enqueue_dma source(%dma_start3A_1030 : memref<128x64xf32, #tpu.memory_space<vmem>>) target(%dma_start3A_1026 : memref<128x64xf32, #tpu.memory_space<hbm>>) target_semaphore(%arg18 : memref<!tpu.dma_semaphore, #tpu.memory_space<semaphore_mem>>)
      %add3A_1031 = arith.constant 6 : i32
      %add3A_1032 = arith.addi %add3A_1003, %add3A_1031 : i32
      %sub3A_1033 = arith.constant 8 : i32
      %sub3A_1034 = arith.subi %add3A_1032, %sub3A_1033 : i32
      %mul3A_1035 = arith.constant 128 : i32
      %mul3A_1036 = arith.muli %sub3A_1034, %mul3A_1035 : i32
      %add3A_1037 = arith.addi %mul3A_2, %mul3A_1036 : i32
      %dma_wait3A_1038 = arith.constant 1 : i32
      %dma_wait3A_1039 = arith.constant 0 : i32
      %dma_wait3A_1040 = arith.constant 0 : i32
      %dma_wait3A_1041 = tpu.memref_slice %arg6[%dma_wait3A_1038, %dma_wait3A_1039, %dma_wait3A_1040] : memref<8x128x64xf32, #tpu.memory_space<vmem>> -> memref<1x128x64xf32, #tpu.memory_space<vmem>>
      %dma_wait3A_1042 = tpu.memref_squeeze %dma_wait3A_1041 : memref<1x128x64xf32, #tpu.memory_space<vmem>> -> memref<128x64xf32, #tpu.memory_space<vmem>>
      %dma_wait3A_1043 = arith.constant 0 : i32
      %dma_wait3A_1044 = tpu.memref_slice %arg4[%add3A_1037, %dma_wait3A_1043] : memref<819200x64xf32, #tpu.memory_space<hbm>> -> memref<128x64xf32, #tpu.memory_space<hbm>>
      %dma_wait3A_1045 = arith.constant 0 : i32
      %dma_wait3A_1046 = tpu.memref_slice %arg4[%add3A_1037, %dma_wait3A_1045] : memref<819200x64xf32, #tpu.memory_space<hbm>> -> memref<128x64xf32, #tpu.memory_space<hbm>>
      %dma_wait3A_1047 = arith.constant 0 : i32
      %dma_wait3A_1048 = arith.constant 0 : i32
      %dma_wait3A_1049 = tpu.memref_slice %arg6[%dma_wait3A_1038, %dma_wait3A_1047, %dma_wait3A_1048] : memref<8x128x64xf32, #tpu.memory_space<vmem>> -> memref<1x128x64xf32, #tpu.memory_space<vmem>>
      %dma_wait3A_1050 = tpu.memref_squeeze %dma_wait3A_1049 : memref<1x128x64xf32, #tpu.memory_space<vmem>> -> memref<128x64xf32, #tpu.memory_space<vmem>>
      tpu.wait_dma2 semaphore(%arg16 : memref<!tpu.dma_semaphore, #tpu.memory_space<semaphore_mem>>) src(%dma_wait3A_1050 : memref<128x64xf32, #tpu.memory_space<vmem>>) dst(%dma_wait3A_1046 : memref<128x64xf32, #tpu.memory_space<hbm>>)
      %add3A_1051 = arith.constant 6 : i32
      %add3A_1052 = arith.addi %add3A_1003, %add3A_1051 : i32
      %mul3A_1053 = arith.constant 128 : i32
      %mul3A_1054 = arith.muli %add3A_1052, %mul3A_1053 : i32
      %dma_start3A_1055 = arith.constant 1 : i32
      %dma_start3A_1056 = arith.constant 0 : i32
      %dma_start3A_1057 = arith.constant 0 : i32
      %dma_start3A_1058 = tpu.memref_slice %arg6[%dma_start3A_1055, %dma_start3A_1056, %dma_start3A_1057] : memref<8x128x64xf32, #tpu.memory_space<vmem>> -> memref<1x128x64xf32, #tpu.memory_space<vmem>>
      %dma_start3A_1059 = tpu.memref_squeeze %dma_start3A_1058 : memref<1x128x64xf32, #tpu.memory_space<vmem>> -> memref<128x64xf32, #tpu.memory_space<vmem>>
      %dma_start3A_1060 = tpu.memref_slice %arg5[%mul3A_1054] : memref<25600xi32, #tpu.memory_space<vmem>> -> memref<128xi32, #tpu.memory_space<vmem>>
      %dma_start3A_1061 = arith.constant 0 : i32
      %dma_start3A_1062 = arith.constant 0 : i32
      %dma_start3A_1063 = tpu.memref_slice %arg3[%dma_start3A_1061, %dma_start3A_1062] : memref<1000000x64xf32, #tpu.memory_space<hbm>> -> memref<1000000x64xf32, #tpu.memory_space<hbm>>
      tpu.enqueue_indirect_dma source(%dma_start3A_1063 : memref<1000000x64xf32, #tpu.memory_space<hbm>>) target(%dma_start3A_1059 : memref<128x64xf32, #tpu.memory_space<vmem>>) offsets(%dma_start3A_1060 : memref<128xi32, #tpu.memory_space<vmem>>) semaphore(%arg8 : memref<!tpu.dma_semaphore, #tpu.memory_space<semaphore_mem>>)
      %mul3A_1064 = arith.constant 8 : i32
      %mul3A_1065 = arith.muli %scan3A_807, %mul3A_1064 : i32
      %add3A_1066 = arith.constant 4 : i32
      %add3A_1067 = arith.addi %mul3A_1065, %add3A_1066 : i32
      %mul3A_1068 = arith.constant 128 : i32
      %mul3A_1069 = arith.muli %add3A_1067, %mul3A_1068 : i32
      %dma_wait3A_1070 = arith.constant 4 : i32
      %dma_wait3A_1071 = arith.constant 0 : i32
      %dma_wait3A_1072 = arith.constant 0 : i32
      %dma_wait3A_1073 = tpu.memref_slice %arg6[%dma_wait3A_1070, %dma_wait3A_1071, %dma_wait3A_1072] : memref<8x128x64xf32, #tpu.memory_space<vmem>> -> memref<1x128x64xf32, #tpu.memory_space<vmem>>
      %dma_wait3A_1074 = tpu.memref_squeeze %dma_wait3A_1073 : memref<1x128x64xf32, #tpu.memory_space<vmem>> -> memref<128x64xf32, #tpu.memory_space<vmem>>
      %dma_wait3A_1075 = tpu.memref_slice %arg5[%mul3A_1069] : memref<25600xi32, #tpu.memory_space<vmem>> -> memref<128xi32, #tpu.memory_space<vmem>>
      %dma_wait3A_1076 = arith.constant 0 : i32
      %dma_wait3A_1077 = arith.constant 0 : i32
      %dma_wait3A_1078 = tpu.memref_slice %arg3[%dma_wait3A_1076, %dma_wait3A_1077] : memref<1000000x64xf32, #tpu.memory_space<hbm>> -> memref<1000000x64xf32, #tpu.memory_space<hbm>>
      tpu.wait_indirect_dma semaphore(%arg11 : memref<!tpu.dma_semaphore, #tpu.memory_space<semaphore_mem>>) src(%dma_wait3A_1078 : memref<1000000x64xf32, #tpu.memory_space<hbm>>) dst(%dma_wait3A_1074 : memref<128x64xf32, #tpu.memory_space<vmem>>)
      %mul3A_1079 = arith.constant 128 : i32
      %mul3A_1080 = arith.muli %add3A_1067, %mul3A_1079 : i32
      %add3A_1081 = arith.addi %mul3A_2, %mul3A_1080 : i32
      %dma_start3A_1082 = arith.constant 4 : i32
      %dma_start3A_1083 = arith.constant 0 : i32
      %dma_start3A_1084 = arith.constant 0 : i32
      %dma_start3A_1085 = tpu.memref_slice %arg6[%dma_start3A_1082, %dma_start3A_1083, %dma_start3A_1084] : memref<8x128x64xf32, #tpu.memory_space<vmem>> -> memref<1x128x64xf32, #tpu.memory_space<vmem>>
      %dma_start3A_1086 = tpu.memref_squeeze %dma_start3A_1085 : memref<1x128x64xf32, #tpu.memory_space<vmem>> -> memref<128x64xf32, #tpu.memory_space<vmem>>
      %dma_start3A_1087 = arith.constant 0 : i32
      %dma_start3A_1088 = tpu.memref_slice %arg4[%add3A_1081, %dma_start3A_1087] : memref<819200x64xf32, #tpu.memory_space<hbm>> -> memref<128x64xf32, #tpu.memory_space<hbm>>
      %dma_start3A_1089 = arith.constant 0 : i32
      %dma_start3A_1090 = tpu.memref_slice %arg4[%add3A_1081, %dma_start3A_1089] : memref<819200x64xf32, #tpu.memory_space<hbm>> -> memref<128x64xf32, #tpu.memory_space<hbm>>
      %dma_start3A_1091 = arith.constant 0 : i32
      %dma_start3A_1092 = arith.constant 0 : i32
      %dma_start3A_1093 = tpu.memref_slice %arg6[%dma_start3A_1082, %dma_start3A_1091, %dma_start3A_1092] : memref<8x128x64xf32, #tpu.memory_space<vmem>> -> memref<1x128x64xf32, #tpu.memory_space<vmem>>
      %dma_start3A_1094 = tpu.memref_squeeze %dma_start3A_1093 : memref<1x128x64xf32, #tpu.memory_space<vmem>> -> memref<128x64xf32, #tpu.memory_space<vmem>>
      tpu.enqueue_dma source(%dma_start3A_1094 : memref<128x64xf32, #tpu.memory_space<vmem>>) target(%dma_start3A_1090 : memref<128x64xf32, #tpu.memory_space<hbm>>) target_semaphore(%arg19 : memref<!tpu.dma_semaphore, #tpu.memory_space<semaphore_mem>>)
      %add3A_1095 = arith.constant 6 : i32
      %add3A_1096 = arith.addi %add3A_1067, %add3A_1095 : i32
      %sub3A_1097 = arith.constant 8 : i32
      %sub3A_1098 = arith.subi %add3A_1096, %sub3A_1097 : i32
      %mul3A_1099 = arith.constant 128 : i32
      %mul3A_1100 = arith.muli %sub3A_1098, %mul3A_1099 : i32
      %add3A_1101 = arith.addi %mul3A_2, %mul3A_1100 : i32
      %dma_wait3A_1102 = arith.constant 2 : i32
      %dma_wait3A_1103 = arith.constant 0 : i32
      %dma_wait3A_1104 = arith.constant 0 : i32
      %dma_wait3A_1105 = tpu.memref_slice %arg6[%dma_wait3A_1102, %dma_wait3A_1103, %dma_wait3A_1104] : memref<8x128x64xf32, #tpu.memory_space<vmem>> -> memref<1x128x64xf32, #tpu.memory_space<vmem>>
      %dma_wait3A_1106 = tpu.memref_squeeze %dma_wait3A_1105 : memref<1x128x64xf32, #tpu.memory_space<vmem>> -> memref<128x64xf32, #tpu.memory_space<vmem>>
      %dma_wait3A_1107 = arith.constant 0 : i32
      %dma_wait3A_1108 = tpu.memref_slice %arg4[%add3A_1101, %dma_wait3A_1107] : memref<819200x64xf32, #tpu.memory_space<hbm>> -> memref<128x64xf32, #tpu.memory_space<hbm>>
      %dma_wait3A_1109 = arith.constant 0 : i32
      %dma_wait3A_1110 = tpu.memref_slice %arg4[%add3A_1101, %dma_wait3A_1109] : memref<819200x64xf32, #tpu.memory_space<hbm>> -> memref<128x64xf32, #tpu.memory_space<hbm>>
      %dma_wait3A_1111 = arith.constant 0 : i32
      %dma_wait3A_1112 = arith.constant 0 : i32
      %dma_wait3A_1113 = tpu.memref_slice %arg6[%dma_wait3A_1102, %dma_wait3A_1111, %dma_wait3A_1112] : memref<8x128x64xf32, #tpu.memory_space<vmem>> -> memref<1x128x64xf32, #tpu.memory_space<vmem>>
      %dma_wait3A_1114 = tpu.memref_squeeze %dma_wait3A_1113 : memref<1x128x64xf32, #tpu.memory_space<vmem>> -> memref<128x64xf32, #tpu.memory_space<vmem>>
      tpu.wait_dma2 semaphore(%arg17 : memref<!tpu.dma_semaphore, #tpu.memory_space<semaphore_mem>>) src(%dma_wait3A_1114 : memref<128x64xf32, #tpu.memory_space<vmem>>) dst(%dma_wait3A_1110 : memref<128x64xf32, #tpu.memory_space<hbm>>)
      %add3A_1115 = arith.constant 6 : i32
      %add3A_1116 = arith.addi %add3A_1067, %add3A_1115 : i32
      %mul3A_1117 = arith.constant 128 : i32
      %mul3A_1118 = arith.muli %add3A_1116, %mul3A_1117 : i32
      %dma_start3A_1119 = arith.constant 2 : i32
      %dma_start3A_1120 = arith.constant 0 : i32
      %dma_start3A_1121 = arith.constant 0 : i32
      %dma_start3A_1122 = tpu.memref_slice %arg6[%dma_start3A_1119, %dma_start3A_1120, %dma_start3A_1121] : memref<8x128x64xf32, #tpu.memory_space<vmem>> -> memref<1x128x64xf32, #tpu.memory_space<vmem>>
      %dma_start3A_1123 = tpu.memref_squeeze %dma_start3A_1122 : memref<1x128x64xf32, #tpu.memory_space<vmem>> -> memref<128x64xf32, #tpu.memory_space<vmem>>
      %dma_start3A_1124 = tpu.memref_slice %arg5[%mul3A_1118] : memref<25600xi32, #tpu.memory_space<vmem>> -> memref<128xi32, #tpu.memory_space<vmem>>
      %dma_start3A_1125 = arith.constant 0 : i32
      %dma_start3A_1126 = arith.constant 0 : i32
      %dma_start3A_1127 = tpu.memref_slice %arg3[%dma_start3A_1125, %dma_start3A_1126] : memref<1000000x64xf32, #tpu.memory_space<hbm>> -> memref<1000000x64xf32, #tpu.memory_space<hbm>>
      tpu.enqueue_indirect_dma source(%dma_start3A_1127 : memref<1000000x64xf32, #tpu.memory_space<hbm>>) target(%dma_start3A_1123 : memref<128x64xf32, #tpu.memory_space<vmem>>) offsets(%dma_start3A_1124 : memref<128xi32, #tpu.memory_space<vmem>>) semaphore(%arg9 : memref<!tpu.dma_semaphore, #tpu.memory_space<semaphore_mem>>)
      %mul3A_1128 = arith.constant 8 : i32
      %mul3A_1129 = arith.muli %scan3A_807, %mul3A_1128 : i32
      %add3A_1130 = arith.constant 5 : i32
      %add3A_1131 = arith.addi %mul3A_1129, %add3A_1130 : i32
      %mul3A_1132 = arith.constant 128 : i32
      %mul3A_1133 = arith.muli %add3A_1131, %mul3A_1132 : i32
      %dma_wait3A_1134 = arith.constant 5 : i32
      %dma_wait3A_1135 = arith.constant 0 : i32
      %dma_wait3A_1136 = arith.constant 0 : i32
      %dma_wait3A_1137 = tpu.memref_slice %arg6[%dma_wait3A_1134, %dma_wait3A_1135, %dma_wait3A_1136] : memref<8x128x64xf32, #tpu.memory_space<vmem>> -> memref<1x128x64xf32, #tpu.memory_space<vmem>>
      %dma_wait3A_1138 = tpu.memref_squeeze %dma_wait3A_1137 : memref<1x128x64xf32, #tpu.memory_space<vmem>> -> memref<128x64xf32, #tpu.memory_space<vmem>>
      %dma_wait3A_1139 = tpu.memref_slice %arg5[%mul3A_1133] : memref<25600xi32, #tpu.memory_space<vmem>> -> memref<128xi32, #tpu.memory_space<vmem>>
      %dma_wait3A_1140 = arith.constant 0 : i32
      %dma_wait3A_1141 = arith.constant 0 : i32
      %dma_wait3A_1142 = tpu.memref_slice %arg3[%dma_wait3A_1140, %dma_wait3A_1141] : memref<1000000x64xf32, #tpu.memory_space<hbm>> -> memref<1000000x64xf32, #tpu.memory_space<hbm>>
      tpu.wait_indirect_dma semaphore(%arg12 : memref<!tpu.dma_semaphore, #tpu.memory_space<semaphore_mem>>) src(%dma_wait3A_1142 : memref<1000000x64xf32, #tpu.memory_space<hbm>>) dst(%dma_wait3A_1138 : memref<128x64xf32, #tpu.memory_space<vmem>>)
      %mul3A_1143 = arith.constant 128 : i32
      %mul3A_1144 = arith.muli %add3A_1131, %mul3A_1143 : i32
      %add3A_1145 = arith.addi %mul3A_2, %mul3A_1144 : i32
      %dma_start3A_1146 = arith.constant 5 : i32
      %dma_start3A_1147 = arith.constant 0 : i32
      %dma_start3A_1148 = arith.constant 0 : i32
      %dma_start3A_1149 = tpu.memref_slice %arg6[%dma_start3A_1146, %dma_start3A_1147, %dma_start3A_1148] : memref<8x128x64xf32, #tpu.memory_space<vmem>> -> memref<1x128x64xf32, #tpu.memory_space<vmem>>
      %dma_start3A_1150 = tpu.memref_squeeze %dma_start3A_1149 : memref<1x128x64xf32, #tpu.memory_space<vmem>> -> memref<128x64xf32, #tpu.memory_space<vmem>>
      %dma_start3A_1151 = arith.constant 0 : i32
      %dma_start3A_1152 = tpu.memref_slice %arg4[%add3A_1145, %dma_start3A_1151] : memref<819200x64xf32, #tpu.memory_space<hbm>> -> memref<128x64xf32, #tpu.memory_space<hbm>>
      %dma_start3A_1153 = arith.constant 0 : i32
      %dma_start3A_1154 = tpu.memref_slice %arg4[%add3A_1145, %dma_start3A_1153] : memref<819200x64xf32, #tpu.memory_space<hbm>> -> memref<128x64xf32, #tpu.memory_space<hbm>>
      %dma_start3A_1155 = arith.constant 0 : i32
      %dma_start3A_1156 = arith.constant 0 : i32
      %dma_start3A_1157 = tpu.memref_slice %arg6[%dma_start3A_1146, %dma_start3A_1155, %dma_start3A_1156] : memref<8x128x64xf32, #tpu.memory_space<vmem>> -> memref<1x128x64xf32, #tpu.memory_space<vmem>>
      %dma_start3A_1158 = tpu.memref_squeeze %dma_start3A_1157 : memref<1x128x64xf32, #tpu.memory_space<vmem>> -> memref<128x64xf32, #tpu.memory_space<vmem>>
      tpu.enqueue_dma source(%dma_start3A_1158 : memref<128x64xf32, #tpu.memory_space<vmem>>) target(%dma_start3A_1154 : memref<128x64xf32, #tpu.memory_space<hbm>>) target_semaphore(%arg20 : memref<!tpu.dma_semaphore, #tpu.memory_space<semaphore_mem>>)
      %add3A_1159 = arith.constant 6 : i32
      %add3A_1160 = arith.addi %add3A_1131, %add3A_1159 : i32
      %sub3A_1161 = arith.constant 8 : i32
      %sub3A_1162 = arith.subi %add3A_1160, %sub3A_1161 : i32
      %mul3A_1163 = arith.constant 128 : i32
      %mul3A_1164 = arith.muli %sub3A_1162, %mul3A_1163 : i32
      %add3A_1165 = arith.addi %mul3A_2, %mul3A_1164 : i32
      %dma_wait3A_1166 = arith.constant 3 : i32
      %dma_wait3A_1167 = arith.constant 0 : i32
      %dma_wait3A_1168 = arith.constant 0 : i32
      %dma_wait3A_1169 = tpu.memref_slice %arg6[%dma_wait3A_1166, %dma_wait3A_1167, %dma_wait3A_1168] : memref<8x128x64xf32, #tpu.memory_space<vmem>> -> memref<1x128x64xf32, #tpu.memory_space<vmem>>
      %dma_wait3A_1170 = tpu.memref_squeeze %dma_wait3A_1169 : memref<1x128x64xf32, #tpu.memory_space<vmem>> -> memref<128x64xf32, #tpu.memory_space<vmem>>
      %dma_wait3A_1171 = arith.constant 0 : i32
      %dma_wait3A_1172 = tpu.memref_slice %arg4[%add3A_1165, %dma_wait3A_1171] : memref<819200x64xf32, #tpu.memory_space<hbm>> -> memref<128x64xf32, #tpu.memory_space<hbm>>
      %dma_wait3A_1173 = arith.constant 0 : i32
      %dma_wait3A_1174 = tpu.memref_slice %arg4[%add3A_1165, %dma_wait3A_1173] : memref<819200x64xf32, #tpu.memory_space<hbm>> -> memref<128x64xf32, #tpu.memory_space<hbm>>
      %dma_wait3A_1175 = arith.constant 0 : i32
      %dma_wait3A_1176 = arith.constant 0 : i32
      %dma_wait3A_1177 = tpu.memref_slice %arg6[%dma_wait3A_1166, %dma_wait3A_1175, %dma_wait3A_1176] : memref<8x128x64xf32, #tpu.memory_space<vmem>> -> memref<1x128x64xf32, #tpu.memory_space<vmem>>
      %dma_wait3A_1178 = tpu.memref_squeeze %dma_wait3A_1177 : memref<1x128x64xf32, #tpu.memory_space<vmem>> -> memref<128x64xf32, #tpu.memory_space<vmem>>
      tpu.wait_dma2 semaphore(%arg18 : memref<!tpu.dma_semaphore, #tpu.memory_space<semaphore_mem>>) src(%dma_wait3A_1178 : memref<128x64xf32, #tpu.memory_space<vmem>>) dst(%dma_wait3A_1174 : memref<128x64xf32, #tpu.memory_space<hbm>>)
      %add3A_1179 = arith.constant 6 : i32
      %add3A_1180 = arith.addi %add3A_1131, %add3A_1179 : i32
      %mul3A_1181 = arith.constant 128 : i32
      %mul3A_1182 = arith.muli %add3A_1180, %mul3A_1181 : i32
      %dma_start3A_1183 = arith.constant 3 : i32
      %dma_start3A_1184 = arith.constant 0 : i32
      %dma_start3A_1185 = arith.constant 0 : i32
      %dma_start3A_1186 = tpu.memref_slice %arg6[%dma_start3A_1183, %dma_start3A_1184, %dma_start3A_1185] : memref<8x128x64xf32, #tpu.memory_space<vmem>> -> memref<1x128x64xf32, #tpu.memory_space<vmem>>
      %dma_start3A_1187 = tpu.memref_squeeze %dma_start3A_1186 : memref<1x128x64xf32, #tpu.memory_space<vmem>> -> memref<128x64xf32, #tpu.memory_space<vmem>>
      %dma_start3A_1188 = tpu.memref_slice %arg5[%mul3A_1182] : memref<25600xi32, #tpu.memory_space<vmem>> -> memref<128xi32, #tpu.memory_space<vmem>>
      %dma_start3A_1189 = arith.constant 0 : i32
      %dma_start3A_1190 = arith.constant 0 : i32
      %dma_start3A_1191 = tpu.memref_slice %arg3[%dma_start3A_1189, %dma_start3A_1190] : memref<1000000x64xf32, #tpu.memory_space<hbm>> -> memref<1000000x64xf32, #tpu.memory_space<hbm>>
      tpu.enqueue_indirect_dma source(%dma_start3A_1191 : memref<1000000x64xf32, #tpu.memory_space<hbm>>) target(%dma_start3A_1187 : memref<128x64xf32, #tpu.memory_space<vmem>>) offsets(%dma_start3A_1188 : memref<128xi32, #tpu.memory_space<vmem>>) semaphore(%arg10 : memref<!tpu.dma_semaphore, #tpu.memory_space<semaphore_mem>>)
      %mul3A_1192 = arith.constant 8 : i32
      %mul3A_1193 = arith.muli %scan3A_807, %mul3A_1192 : i32
      %add3A_1194 = arith.constant 6 : i32
      %add3A_1195 = arith.addi %mul3A_1193, %add3A_1194 : i32
      %mul3A_1196 = arith.constant 128 : i32
      %mul3A_1197 = arith.muli %add3A_1195, %mul3A_1196 : i32
      %dma_wait3A_1198 = arith.constant 6 : i32
      %dma_wait3A_1199 = arith.constant 0 : i32
      %dma_wait3A_1200 = arith.constant 0 : i32
      %dma_wait3A_1201 = tpu.memref_slice %arg6[%dma_wait3A_1198, %dma_wait3A_1199, %dma_wait3A_1200] : memref<8x128x64xf32, #tpu.memory_space<vmem>> -> memref<1x128x64xf32, #tpu.memory_space<vmem>>
      %dma_wait3A_1202 = tpu.memref_squeeze %dma_wait3A_1201 : memref<1x128x64xf32, #tpu.memory_space<vmem>> -> memref<128x64xf32, #tpu.memory_space<vmem>>
      %dma_wait3A_1203 = tpu.memref_slice %arg5[%mul3A_1197] : memref<25600xi32, #tpu.memory_space<vmem>> -> memref<128xi32, #tpu.memory_space<vmem>>
      %dma_wait3A_1204 = arith.constant 0 : i32
      %dma_wait3A_1205 = arith.constant 0 : i32
      %dma_wait3A_1206 = tpu.memref_slice %arg3[%dma_wait3A_1204, %dma_wait3A_1205] : memref<1000000x64xf32, #tpu.memory_space<hbm>> -> memref<1000000x64xf32, #tpu.memory_space<hbm>>
      tpu.wait_indirect_dma semaphore(%arg13 : memref<!tpu.dma_semaphore, #tpu.memory_space<semaphore_mem>>) src(%dma_wait3A_1206 : memref<1000000x64xf32, #tpu.memory_space<hbm>>) dst(%dma_wait3A_1202 : memref<128x64xf32, #tpu.memory_space<vmem>>)
      %mul3A_1207 = arith.constant 128 : i32
      %mul3A_1208 = arith.muli %add3A_1195, %mul3A_1207 : i32
      %add3A_1209 = arith.addi %mul3A_2, %mul3A_1208 : i32
      %dma_start3A_1210 = arith.constant 6 : i32
      %dma_start3A_1211 = arith.constant 0 : i32
      %dma_start3A_1212 = arith.constant 0 : i32
      %dma_start3A_1213 = tpu.memref_slice %arg6[%dma_start3A_1210, %dma_start3A_1211, %dma_start3A_1212] : memref<8x128x64xf32, #tpu.memory_space<vmem>> -> memref<1x128x64xf32, #tpu.memory_space<vmem>>
      %dma_start3A_1214 = tpu.memref_squeeze %dma_start3A_1213 : memref<1x128x64xf32, #tpu.memory_space<vmem>> -> memref<128x64xf32, #tpu.memory_space<vmem>>
      %dma_start3A_1215 = arith.constant 0 : i32
      %dma_start3A_1216 = tpu.memref_slice %arg4[%add3A_1209, %dma_start3A_1215] : memref<819200x64xf32, #tpu.memory_space<hbm>> -> memref<128x64xf32, #tpu.memory_space<hbm>>
      %dma_start3A_1217 = arith.constant 0 : i32
      %dma_start3A_1218 = tpu.memref_slice %arg4[%add3A_1209, %dma_start3A_1217] : memref<819200x64xf32, #tpu.memory_space<hbm>> -> memref<128x64xf32, #tpu.memory_space<hbm>>
      %dma_start3A_1219 = arith.constant 0 : i32
      %dma_start3A_1220 = arith.constant 0 : i32
      %dma_start3A_1221 = tpu.memref_slice %arg6[%dma_start3A_1210, %dma_start3A_1219, %dma_start3A_1220] : memref<8x128x64xf32, #tpu.memory_space<vmem>> -> memref<1x128x64xf32, #tpu.memory_space<vmem>>
      %dma_start3A_1222 = tpu.memref_squeeze %dma_start3A_1221 : memref<1x128x64xf32, #tpu.memory_space<vmem>> -> memref<128x64xf32, #tpu.memory_space<vmem>>
      tpu.enqueue_dma source(%dma_start3A_1222 : memref<128x64xf32, #tpu.memory_space<vmem>>) target(%dma_start3A_1218 : memref<128x64xf32, #tpu.memory_space<hbm>>) target_semaphore(%arg21 : memref<!tpu.dma_semaphore, #tpu.memory_space<semaphore_mem>>)
      %add3A_1223 = arith.constant 6 : i32
      %add3A_1224 = arith.addi %add3A_1195, %add3A_1223 : i32
      %sub3A_1225 = arith.constant 8 : i32
      %sub3A_1226 = arith.subi %add3A_1224, %sub3A_1225 : i32
      %mul3A_1227 = arith.constant 128 : i32
      %mul3A_1228 = arith.muli %sub3A_1226, %mul3A_1227 : i32
      %add3A_1229 = arith.addi %mul3A_2, %mul3A_1228 : i32
      %dma_wait3A_1230 = arith.constant 4 : i32
      %dma_wait3A_1231 = arith.constant 0 : i32
      %dma_wait3A_1232 = arith.constant 0 : i32
      %dma_wait3A_1233 = tpu.memref_slice %arg6[%dma_wait3A_1230, %dma_wait3A_1231, %dma_wait3A_1232] : memref<8x128x64xf32, #tpu.memory_space<vmem>> -> memref<1x128x64xf32, #tpu.memory_space<vmem>>
      %dma_wait3A_1234 = tpu.memref_squeeze %dma_wait3A_1233 : memref<1x128x64xf32, #tpu.memory_space<vmem>> -> memref<128x64xf32, #tpu.memory_space<vmem>>
      %dma_wait3A_1235 = arith.constant 0 : i32
      %dma_wait3A_1236 = tpu.memref_slice %arg4[%add3A_1229, %dma_wait3A_1235] : memref<819200x64xf32, #tpu.memory_space<hbm>> -> memref<128x64xf32, #tpu.memory_space<hbm>>
      %dma_wait3A_1237 = arith.constant 0 : i32
      %dma_wait3A_1238 = tpu.memref_slice %arg4[%add3A_1229, %dma_wait3A_1237] : memref<819200x64xf32, #tpu.memory_space<hbm>> -> memref<128x64xf32, #tpu.memory_space<hbm>>
      %dma_wait3A_1239 = arith.constant 0 : i32
      %dma_wait3A_1240 = arith.constant 0 : i32
      %dma_wait3A_1241 = tpu.memref_slice %arg6[%dma_wait3A_1230, %dma_wait3A_1239, %dma_wait3A_1240] : memref<8x128x64xf32, #tpu.memory_space<vmem>> -> memref<1x128x64xf32, #tpu.memory_space<vmem>>
      %dma_wait3A_1242 = tpu.memref_squeeze %dma_wait3A_1241 : memref<1x128x64xf32, #tpu.memory_space<vmem>> -> memref<128x64xf32, #tpu.memory_space<vmem>>
      tpu.wait_dma2 semaphore(%arg19 : memref<!tpu.dma_semaphore, #tpu.memory_space<semaphore_mem>>) src(%dma_wait3A_1242 : memref<128x64xf32, #tpu.memory_space<vmem>>) dst(%dma_wait3A_1238 : memref<128x64xf32, #tpu.memory_space<hbm>>)
      %add3A_1243 = arith.constant 6 : i32
      %add3A_1244 = arith.addi %add3A_1195, %add3A_1243 : i32
      %mul3A_1245 = arith.constant 128 : i32
      %mul3A_1246 = arith.muli %add3A_1244, %mul3A_1245 : i32
      %dma_start3A_1247 = arith.constant 4 : i32
      %dma_start3A_1248 = arith.constant 0 : i32
      %dma_start3A_1249 = arith.constant 0 : i32
      %dma_start3A_1250 = tpu.memref_slice %arg6[%dma_start3A_1247, %dma_start3A_1248, %dma_start3A_1249] : memref<8x128x64xf32, #tpu.memory_space<vmem>> -> memref<1x128x64xf32, #tpu.memory_space<vmem>>
      %dma_start3A_1251 = tpu.memref_squeeze %dma_start3A_1250 : memref<1x128x64xf32, #tpu.memory_space<vmem>> -> memref<128x64xf32, #tpu.memory_space<vmem>>
      %dma_start3A_1252 = tpu.memref_slice %arg5[%mul3A_1246] : memref<25600xi32, #tpu.memory_space<vmem>> -> memref<128xi32, #tpu.memory_space<vmem>>
      %dma_start3A_1253 = arith.constant 0 : i32
      %dma_start3A_1254 = arith.constant 0 : i32
      %dma_start3A_1255 = tpu.memref_slice %arg3[%dma_start3A_1253, %dma_start3A_1254] : memref<1000000x64xf32, #tpu.memory_space<hbm>> -> memref<1000000x64xf32, #tpu.memory_space<hbm>>
      tpu.enqueue_indirect_dma source(%dma_start3A_1255 : memref<1000000x64xf32, #tpu.memory_space<hbm>>) target(%dma_start3A_1251 : memref<128x64xf32, #tpu.memory_space<vmem>>) offsets(%dma_start3A_1252 : memref<128xi32, #tpu.memory_space<vmem>>) semaphore(%arg11 : memref<!tpu.dma_semaphore, #tpu.memory_space<semaphore_mem>>)
      %mul3A_1256 = arith.constant 8 : i32
      %mul3A_1257 = arith.muli %scan3A_807, %mul3A_1256 : i32
      %add3A_1258 = arith.constant 7 : i32
      %add3A_1259 = arith.addi %mul3A_1257, %add3A_1258 : i32
      %mul3A_1260 = arith.constant 128 : i32
      %mul3A_1261 = arith.muli %add3A_1259, %mul3A_1260 : i32
      %dma_wait3A_1262 = arith.constant 7 : i32
      %dma_wait3A_1263 = arith.constant 0 : i32
      %dma_wait3A_1264 = arith.constant 0 : i32
      %dma_wait3A_1265 = tpu.memref_slice %arg6[%dma_wait3A_1262, %dma_wait3A_1263, %dma_wait3A_1264] : memref<8x128x64xf32, #tpu.memory_space<vmem>> -> memref<1x128x64xf32, #tpu.memory_space<vmem>>
      %dma_wait3A_1266 = tpu.memref_squeeze %dma_wait3A_1265 : memref<1x128x64xf32, #tpu.memory_space<vmem>> -> memref<128x64xf32, #tpu.memory_space<vmem>>
      %dma_wait3A_1267 = tpu.memref_slice %arg5[%mul3A_1261] : memref<25600xi32, #tpu.memory_space<vmem>> -> memref<128xi32, #tpu.memory_space<vmem>>
      %dma_wait3A_1268 = arith.constant 0 : i32
      %dma_wait3A_1269 = arith.constant 0 : i32
      %dma_wait3A_1270 = tpu.memref_slice %arg3[%dma_wait3A_1268, %dma_wait3A_1269] : memref<1000000x64xf32, #tpu.memory_space<hbm>> -> memref<1000000x64xf32, #tpu.memory_space<hbm>>
      tpu.wait_indirect_dma semaphore(%arg14 : memref<!tpu.dma_semaphore, #tpu.memory_space<semaphore_mem>>) src(%dma_wait3A_1270 : memref<1000000x64xf32, #tpu.memory_space<hbm>>) dst(%dma_wait3A_1266 : memref<128x64xf32, #tpu.memory_space<vmem>>)
      %mul3A_1271 = arith.constant 128 : i32
      %mul3A_1272 = arith.muli %add3A_1259, %mul3A_1271 : i32
      %add3A_1273 = arith.addi %mul3A_2, %mul3A_1272 : i32
      %dma_start3A_1274 = arith.constant 7 : i32
      %dma_start3A_1275 = arith.constant 0 : i32
      %dma_start3A_1276 = arith.constant 0 : i32
      %dma_start3A_1277 = tpu.memref_slice %arg6[%dma_start3A_1274, %dma_start3A_1275, %dma_start3A_1276] : memref<8x128x64xf32, #tpu.memory_space<vmem>> -> memref<1x128x64xf32, #tpu.memory_space<vmem>>
      %dma_start3A_1278 = tpu.memref_squeeze %dma_start3A_1277 : memref<1x128x64xf32, #tpu.memory_space<vmem>> -> memref<128x64xf32, #tpu.memory_space<vmem>>
      %dma_start3A_1279 = arith.constant 0 : i32
      %dma_start3A_1280 = tpu.memref_slice %arg4[%add3A_1273, %dma_start3A_1279] : memref<819200x64xf32, #tpu.memory_space<hbm>> -> memref<128x64xf32, #tpu.memory_space<hbm>>
      %dma_start3A_1281 = arith.constant 0 : i32
      %dma_start3A_1282 = tpu.memref_slice %arg4[%add3A_1273, %dma_start3A_1281] : memref<819200x64xf32, #tpu.memory_space<hbm>> -> memref<128x64xf32, #tpu.memory_space<hbm>>
      %dma_start3A_1283 = arith.constant 0 : i32
      %dma_start3A_1284 = arith.constant 0 : i32
      %dma_start3A_1285 = tpu.memref_slice %arg6[%dma_start3A_1274, %dma_start3A_1283, %dma_start3A_1284] : memref<8x128x64xf32, #tpu.memory_space<vmem>> -> memref<1x128x64xf32, #tpu.memory_space<vmem>>
      %dma_start3A_1286 = tpu.memref_squeeze %dma_start3A_1285 : memref<1x128x64xf32, #tpu.memory_space<vmem>> -> memref<128x64xf32, #tpu.memory_space<vmem>>
      tpu.enqueue_dma source(%dma_start3A_1286 : memref<128x64xf32, #tpu.memory_space<vmem>>) target(%dma_start3A_1282 : memref<128x64xf32, #tpu.memory_space<hbm>>) target_semaphore(%arg22 : memref<!tpu.dma_semaphore, #tpu.memory_space<semaphore_mem>>)
      %add3A_1287 = arith.constant 6 : i32
      %add3A_1288 = arith.addi %add3A_1259, %add3A_1287 : i32
      %sub3A_1289 = arith.constant 8 : i32
      %sub3A_1290 = arith.subi %add3A_1288, %sub3A_1289 : i32
      %mul3A_1291 = arith.constant 128 : i32
      %mul3A_1292 = arith.muli %sub3A_1290, %mul3A_1291 : i32
      %add3A_1293 = arith.addi %mul3A_2, %mul3A_1292 : i32
      %dma_wait3A_1294 = arith.constant 5 : i32
      %dma_wait3A_1295 = arith.constant 0 : i32
      %dma_wait3A_1296 = arith.constant 0 : i32
      %dma_wait3A_1297 = tpu.memref_slice %arg6[%dma_wait3A_1294, %dma_wait3A_1295, %dma_wait3A_1296] : memref<8x128x64xf32, #tpu.memory_space<vmem>> -> memref<1x128x64xf32, #tpu.memory_space<vmem>>
      %dma_wait3A_1298 = tpu.memref_squeeze %dma_wait3A_1297 : memref<1x128x64xf32, #tpu.memory_space<vmem>> -> memref<128x64xf32, #tpu.memory_space<vmem>>
      %dma_wait3A_1299 = arith.constant 0 : i32
      %dma_wait3A_1300 = tpu.memref_slice %arg4[%add3A_1293, %dma_wait3A_1299] : memref<819200x64xf32, #tpu.memory_space<hbm>> -> memref<128x64xf32, #tpu.memory_space<hbm>>
      %dma_wait3A_1301 = arith.constant 0 : i32
      %dma_wait3A_1302 = tpu.memref_slice %arg4[%add3A_1293, %dma_wait3A_1301] : memref<819200x64xf32, #tpu.memory_space<hbm>> -> memref<128x64xf32, #tpu.memory_space<hbm>>
      %dma_wait3A_1303 = arith.constant 0 : i32
      %dma_wait3A_1304 = arith.constant 0 : i32
      %dma_wait3A_1305 = tpu.memref_slice %arg6[%dma_wait3A_1294, %dma_wait3A_1303, %dma_wait3A_1304] : memref<8x128x64xf32, #tpu.memory_space<vmem>> -> memref<1x128x64xf32, #tpu.memory_space<vmem>>
      %dma_wait3A_1306 = tpu.memref_squeeze %dma_wait3A_1305 : memref<1x128x64xf32, #tpu.memory_space<vmem>> -> memref<128x64xf32, #tpu.memory_space<vmem>>
      tpu.wait_dma2 semaphore(%arg20 : memref<!tpu.dma_semaphore, #tpu.memory_space<semaphore_mem>>) src(%dma_wait3A_1306 : memref<128x64xf32, #tpu.memory_space<vmem>>) dst(%dma_wait3A_1302 : memref<128x64xf32, #tpu.memory_space<hbm>>)
      %add3A_1307 = arith.constant 6 : i32
      %add3A_1308 = arith.addi %add3A_1259, %add3A_1307 : i32
      %mul3A_1309 = arith.constant 128 : i32
      %mul3A_1310 = arith.muli %add3A_1308, %mul3A_1309 : i32
      %dma_start3A_1311 = arith.constant 5 : i32
      %dma_start3A_1312 = arith.constant 0 : i32
      %dma_start3A_1313 = arith.constant 0 : i32
      %dma_start3A_1314 = tpu.memref_slice %arg6[%dma_start3A_1311, %dma_start3A_1312, %dma_start3A_1313] : memref<8x128x64xf32, #tpu.memory_space<vmem>> -> memref<1x128x64xf32, #tpu.memory_space<vmem>>
      %dma_start3A_1315 = tpu.memref_squeeze %dma_start3A_1314 : memref<1x128x64xf32, #tpu.memory_space<vmem>> -> memref<128x64xf32, #tpu.memory_space<vmem>>
      %dma_start3A_1316 = tpu.memref_slice %arg5[%mul3A_1310] : memref<25600xi32, #tpu.memory_space<vmem>> -> memref<128xi32, #tpu.memory_space<vmem>>
      %dma_start3A_1317 = arith.constant 0 : i32
      %dma_start3A_1318 = arith.constant 0 : i32
      %dma_start3A_1319 = tpu.memref_slice %arg3[%dma_start3A_1317, %dma_start3A_1318] : memref<1000000x64xf32, #tpu.memory_space<hbm>> -> memref<1000000x64xf32, #tpu.memory_space<hbm>>
      tpu.enqueue_indirect_dma source(%dma_start3A_1319 : memref<1000000x64xf32, #tpu.memory_space<hbm>>) target(%dma_start3A_1315 : memref<128x64xf32, #tpu.memory_space<vmem>>) offsets(%dma_start3A_1316 : memref<128xi32, #tpu.memory_space<vmem>>) semaphore(%arg12 : memref<!tpu.dma_semaphore, #tpu.memory_space<semaphore_mem>>)
      %scan3A_1320 = arith.constant 0 : i32
      scf.yield %scan3A_1320 : i32
    }
    %scan3A_436 = arith.constant 23 : i32
    %dma_wait3A_437 = arith.constant 0 : i32
    %dma_wait3A_438 = arith.constant 0 : i32
    %dma_wait3A_439 = arith.constant 0 : i32
    %dma_wait3A_440 = tpu.memref_slice %arg6[%dma_wait3A_437, %dma_wait3A_438, %dma_wait3A_439] : memref<8x128x64xf32, #tpu.memory_space<vmem>> -> memref<1x128x64xf32, #tpu.memory_space<vmem>>
    %dma_wait3A_441 = tpu.memref_squeeze %dma_wait3A_440 : memref<1x128x64xf32, #tpu.memory_space<vmem>> -> memref<128x64xf32, #tpu.memory_space<vmem>>
    %dma_wait3A_442 = arith.constant 24576 : i32
    %dma_wait3A_443 = tpu.memref_slice %arg5[%dma_wait3A_442] : memref<25600xi32, #tpu.memory_space<vmem>> -> memref<128xi32, #tpu.memory_space<vmem>>
    %dma_wait3A_444 = arith.constant 0 : i32
    %dma_wait3A_445 = arith.constant 0 : i32
    %dma_wait3A_446 = tpu.memref_slice %arg3[%dma_wait3A_444, %dma_wait3A_445] : memref<1000000x64xf32, #tpu.memory_space<hbm>> -> memref<1000000x64xf32, #tpu.memory_space<hbm>>
    tpu.wait_indirect_dma semaphore(%arg7 : memref<!tpu.dma_semaphore, #tpu.memory_space<semaphore_mem>>) src(%dma_wait3A_446 : memref<1000000x64xf32, #tpu.memory_space<hbm>>) dst(%dma_wait3A_441 : memref<128x64xf32, #tpu.memory_space<vmem>>)
    %add3A_447 = arith.constant 24576 : i32
    %add3A_448 = arith.addi %mul3A_2, %add3A_447 : i32
    %dma_start3A_449 = arith.constant 0 : i32
    %dma_start3A_450 = arith.constant 0 : i32
    %dma_start3A_451 = arith.constant 0 : i32
    %dma_start3A_452 = tpu.memref_slice %arg6[%dma_start3A_449, %dma_start3A_450, %dma_start3A_451] : memref<8x128x64xf32, #tpu.memory_space<vmem>> -> memref<1x128x64xf32, #tpu.memory_space<vmem>>
    %dma_start3A_453 = tpu.memref_squeeze %dma_start3A_452 : memref<1x128x64xf32, #tpu.memory_space<vmem>> -> memref<128x64xf32, #tpu.memory_space<vmem>>
    %dma_start3A_454 = arith.constant 0 : i32
    %dma_start3A_455 = tpu.memref_slice %arg4[%add3A_448, %dma_start3A_454] : memref<819200x64xf32, #tpu.memory_space<hbm>> -> memref<128x64xf32, #tpu.memory_space<hbm>>
    %dma_start3A_456 = arith.constant 0 : i32
    %dma_start3A_457 = tpu.memref_slice %arg4[%add3A_448, %dma_start3A_456] : memref<819200x64xf32, #tpu.memory_space<hbm>> -> memref<128x64xf32, #tpu.memory_space<hbm>>
    %dma_start3A_458 = arith.constant 0 : i32
    %dma_start3A_459 = arith.constant 0 : i32
    %dma_start3A_460 = tpu.memref_slice %arg6[%dma_start3A_449, %dma_start3A_458, %dma_start3A_459] : memref<8x128x64xf32, #tpu.memory_space<vmem>> -> memref<1x128x64xf32, #tpu.memory_space<vmem>>
    %dma_start3A_461 = tpu.memref_squeeze %dma_start3A_460 : memref<1x128x64xf32, #tpu.memory_space<vmem>> -> memref<128x64xf32, #tpu.memory_space<vmem>>
    tpu.enqueue_dma source(%dma_start3A_461 : memref<128x64xf32, #tpu.memory_space<vmem>>) target(%dma_start3A_457 : memref<128x64xf32, #tpu.memory_space<hbm>>) target_semaphore(%arg15 : memref<!tpu.dma_semaphore, #tpu.memory_space<semaphore_mem>>)
    %add3A_462 = arith.constant 24320 : i32
    %add3A_463 = arith.addi %mul3A_2, %add3A_462 : i32
    %dma_wait3A_464 = arith.constant 6 : i32
    %dma_wait3A_465 = arith.constant 0 : i32
    %dma_wait3A_466 = arith.constant 0 : i32
    %dma_wait3A_467 = tpu.memref_slice %arg6[%dma_wait3A_464, %dma_wait3A_465, %dma_wait3A_466] : memref<8x128x64xf32, #tpu.memory_space<vmem>> -> memref<1x128x64xf32, #tpu.memory_space<vmem>>
    %dma_wait3A_468 = tpu.memref_squeeze %dma_wait3A_467 : memref<1x128x64xf32, #tpu.memory_space<vmem>> -> memref<128x64xf32, #tpu.memory_space<vmem>>
    %dma_wait3A_469 = arith.constant 0 : i32
    %dma_wait3A_470 = tpu.memref_slice %arg4[%add3A_463, %dma_wait3A_469] : memref<819200x64xf32, #tpu.memory_space<hbm>> -> memref<128x64xf32, #tpu.memory_space<hbm>>
    %dma_wait3A_471 = arith.constant 0 : i32
    %dma_wait3A_472 = tpu.memref_slice %arg4[%add3A_463, %dma_wait3A_471] : memref<819200x64xf32, #tpu.memory_space<hbm>> -> memref<128x64xf32, #tpu.memory_space<hbm>>
    %dma_wait3A_473 = arith.constant 0 : i32
    %dma_wait3A_474 = arith.constant 0 : i32
    %dma_wait3A_475 = tpu.memref_slice %arg6[%dma_wait3A_464, %dma_wait3A_473, %dma_wait3A_474] : memref<8x128x64xf32, #tpu.memory_space<vmem>> -> memref<1x128x64xf32, #tpu.memory_space<vmem>>
    %dma_wait3A_476 = tpu.memref_squeeze %dma_wait3A_475 : memref<1x128x64xf32, #tpu.memory_space<vmem>> -> memref<128x64xf32, #tpu.memory_space<vmem>>
    tpu.wait_dma2 semaphore(%arg21 : memref<!tpu.dma_semaphore, #tpu.memory_space<semaphore_mem>>) src(%dma_wait3A_476 : memref<128x64xf32, #tpu.memory_space<vmem>>) dst(%dma_wait3A_472 : memref<128x64xf32, #tpu.memory_space<hbm>>)
    %dma_start3A_477 = arith.constant 6 : i32
    %dma_start3A_478 = arith.constant 0 : i32
    %dma_start3A_479 = arith.constant 0 : i32
    %dma_start3A_480 = tpu.memref_slice %arg6[%dma_start3A_477, %dma_start3A_478, %dma_start3A_479] : memref<8x128x64xf32, #tpu.memory_space<vmem>> -> memref<1x128x64xf32, #tpu.memory_space<vmem>>
    %dma_start3A_481 = tpu.memref_squeeze %dma_start3A_480 : memref<1x128x64xf32, #tpu.memory_space<vmem>> -> memref<128x64xf32, #tpu.memory_space<vmem>>
    %dma_start3A_482 = arith.constant 25344 : i32
    %dma_start3A_483 = tpu.memref_slice %arg5[%dma_start3A_482] : memref<25600xi32, #tpu.memory_space<vmem>> -> memref<128xi32, #tpu.memory_space<vmem>>
    %dma_start3A_484 = arith.constant 0 : i32
    %dma_start3A_485 = arith.constant 0 : i32
    %dma_start3A_486 = tpu.memref_slice %arg3[%dma_start3A_484, %dma_start3A_485] : memref<1000000x64xf32, #tpu.memory_space<hbm>> -> memref<1000000x64xf32, #tpu.memory_space<hbm>>
    tpu.enqueue_indirect_dma source(%dma_start3A_486 : memref<1000000x64xf32, #tpu.memory_space<hbm>>) target(%dma_start3A_481 : memref<128x64xf32, #tpu.memory_space<vmem>>) offsets(%dma_start3A_483 : memref<128xi32, #tpu.memory_space<vmem>>) semaphore(%arg13 : memref<!tpu.dma_semaphore, #tpu.memory_space<semaphore_mem>>)
    %dma_wait3A_487 = arith.constant 1 : i32
    %dma_wait3A_488 = arith.constant 0 : i32
    %dma_wait3A_489 = arith.constant 0 : i32
    %dma_wait3A_490 = tpu.memref_slice %arg6[%dma_wait3A_487, %dma_wait3A_488, %dma_wait3A_489] : memref<8x128x64xf32, #tpu.memory_space<vmem>> -> memref<1x128x64xf32, #tpu.memory_space<vmem>>
    %dma_wait3A_491 = tpu.memref_squeeze %dma_wait3A_490 : memref<1x128x64xf32, #tpu.memory_space<vmem>> -> memref<128x64xf32, #tpu.memory_space<vmem>>
    %dma_wait3A_492 = arith.constant 24704 : i32
    %dma_wait3A_493 = tpu.memref_slice %arg5[%dma_wait3A_492] : memref<25600xi32, #tpu.memory_space<vmem>> -> memref<128xi32, #tpu.memory_space<vmem>>
    %dma_wait3A_494 = arith.constant 0 : i32
    %dma_wait3A_495 = arith.constant 0 : i32
    %dma_wait3A_496 = tpu.memref_slice %arg3[%dma_wait3A_494, %dma_wait3A_495] : memref<1000000x64xf32, #tpu.memory_space<hbm>> -> memref<1000000x64xf32, #tpu.memory_space<hbm>>
    tpu.wait_indirect_dma semaphore(%arg8 : memref<!tpu.dma_semaphore, #tpu.memory_space<semaphore_mem>>) src(%dma_wait3A_496 : memref<1000000x64xf32, #tpu.memory_space<hbm>>) dst(%dma_wait3A_491 : memref<128x64xf32, #tpu.memory_space<vmem>>)
    %add3A_497 = arith.constant 24704 : i32
    %add3A_498 = arith.addi %mul3A_2, %add3A_497 : i32
    %dma_start3A_499 = arith.constant 1 : i32
    %dma_start3A_500 = arith.constant 0 : i32
    %dma_start3A_501 = arith.constant 0 : i32
    %dma_start3A_502 = tpu.memref_slice %arg6[%dma_start3A_499, %dma_start3A_500, %dma_start3A_501] : memref<8x128x64xf32, #tpu.memory_space<vmem>> -> memref<1x128x64xf32, #tpu.memory_space<vmem>>
    %dma_start3A_503 = tpu.memref_squeeze %dma_start3A_502 : memref<1x128x64xf32, #tpu.memory_space<vmem>> -> memref<128x64xf32, #tpu.memory_space<vmem>>
    %dma_start3A_504 = arith.constant 0 : i32
    %dma_start3A_505 = tpu.memref_slice %arg4[%add3A_498, %dma_start3A_504] : memref<819200x64xf32, #tpu.memory_space<hbm>> -> memref<128x64xf32, #tpu.memory_space<hbm>>
    %dma_start3A_506 = arith.constant 0 : i32
    %dma_start3A_507 = tpu.memref_slice %arg4[%add3A_498, %dma_start3A_506] : memref<819200x64xf32, #tpu.memory_space<hbm>> -> memref<128x64xf32, #tpu.memory_space<hbm>>
    %dma_start3A_508 = arith.constant 0 : i32
    %dma_start3A_509 = arith.constant 0 : i32
    %dma_start3A_510 = tpu.memref_slice %arg6[%dma_start3A_499, %dma_start3A_508, %dma_start3A_509] : memref<8x128x64xf32, #tpu.memory_space<vmem>> -> memref<1x128x64xf32, #tpu.memory_space<vmem>>
    %dma_start3A_511 = tpu.memref_squeeze %dma_start3A_510 : memref<1x128x64xf32, #tpu.memory_space<vmem>> -> memref<128x64xf32, #tpu.memory_space<vmem>>
    tpu.enqueue_dma source(%dma_start3A_511 : memref<128x64xf32, #tpu.memory_space<vmem>>) target(%dma_start3A_507 : memref<128x64xf32, #tpu.memory_space<hbm>>) target_semaphore(%arg16 : memref<!tpu.dma_semaphore, #tpu.memory_space<semaphore_mem>>)
    %add3A_512 = arith.constant 24448 : i32
    %add3A_513 = arith.addi %mul3A_2, %add3A_512 : i32
    %dma_wait3A_514 = arith.constant 7 : i32
    %dma_wait3A_515 = arith.constant 0 : i32
    %dma_wait3A_516 = arith.constant 0 : i32
    %dma_wait3A_517 = tpu.memref_slice %arg6[%dma_wait3A_514, %dma_wait3A_515, %dma_wait3A_516] : memref<8x128x64xf32, #tpu.memory_space<vmem>> -> memref<1x128x64xf32, #tpu.memory_space<vmem>>
    %dma_wait3A_518 = tpu.memref_squeeze %dma_wait3A_517 : memref<1x128x64xf32, #tpu.memory_space<vmem>> -> memref<128x64xf32, #tpu.memory_space<vmem>>
    %dma_wait3A_519 = arith.constant 0 : i32
    %dma_wait3A_520 = tpu.memref_slice %arg4[%add3A_513, %dma_wait3A_519] : memref<819200x64xf32, #tpu.memory_space<hbm>> -> memref<128x64xf32, #tpu.memory_space<hbm>>
    %dma_wait3A_521 = arith.constant 0 : i32
    %dma_wait3A_522 = tpu.memref_slice %arg4[%add3A_513, %dma_wait3A_521] : memref<819200x64xf32, #tpu.memory_space<hbm>> -> memref<128x64xf32, #tpu.memory_space<hbm>>
    %dma_wait3A_523 = arith.constant 0 : i32
    %dma_wait3A_524 = arith.constant 0 : i32
    %dma_wait3A_525 = tpu.memref_slice %arg6[%dma_wait3A_514, %dma_wait3A_523, %dma_wait3A_524] : memref<8x128x64xf32, #tpu.memory_space<vmem>> -> memref<1x128x64xf32, #tpu.memory_space<vmem>>
    %dma_wait3A_526 = tpu.memref_squeeze %dma_wait3A_525 : memref<1x128x64xf32, #tpu.memory_space<vmem>> -> memref<128x64xf32, #tpu.memory_space<vmem>>
    tpu.wait_dma2 semaphore(%arg22 : memref<!tpu.dma_semaphore, #tpu.memory_space<semaphore_mem>>) src(%dma_wait3A_526 : memref<128x64xf32, #tpu.memory_space<vmem>>) dst(%dma_wait3A_522 : memref<128x64xf32, #tpu.memory_space<hbm>>)
    %dma_start3A_527 = arith.constant 7 : i32
    %dma_start3A_528 = arith.constant 0 : i32
    %dma_start3A_529 = arith.constant 0 : i32
    %dma_start3A_530 = tpu.memref_slice %arg6[%dma_start3A_527, %dma_start3A_528, %dma_start3A_529] : memref<8x128x64xf32, #tpu.memory_space<vmem>> -> memref<1x128x64xf32, #tpu.memory_space<vmem>>
    %dma_start3A_531 = tpu.memref_squeeze %dma_start3A_530 : memref<1x128x64xf32, #tpu.memory_space<vmem>> -> memref<128x64xf32, #tpu.memory_space<vmem>>
    %dma_start3A_532 = arith.constant 25472 : i32
    %dma_start3A_533 = tpu.memref_slice %arg5[%dma_start3A_532] : memref<25600xi32, #tpu.memory_space<vmem>> -> memref<128xi32, #tpu.memory_space<vmem>>
    %dma_start3A_534 = arith.constant 0 : i32
    %dma_start3A_535 = arith.constant 0 : i32
    %dma_start3A_536 = tpu.memref_slice %arg3[%dma_start3A_534, %dma_start3A_535] : memref<1000000x64xf32, #tpu.memory_space<hbm>> -> memref<1000000x64xf32, #tpu.memory_space<hbm>>
    tpu.enqueue_indirect_dma source(%dma_start3A_536 : memref<1000000x64xf32, #tpu.memory_space<hbm>>) target(%dma_start3A_531 : memref<128x64xf32, #tpu.memory_space<vmem>>) offsets(%dma_start3A_533 : memref<128xi32, #tpu.memory_space<vmem>>) semaphore(%arg14 : memref<!tpu.dma_semaphore, #tpu.memory_space<semaphore_mem>>)
    %dma_wait3A_537 = arith.constant 2 : i32
    %dma_wait3A_538 = arith.constant 0 : i32
    %dma_wait3A_539 = arith.constant 0 : i32
    %dma_wait3A_540 = tpu.memref_slice %arg6[%dma_wait3A_537, %dma_wait3A_538, %dma_wait3A_539] : memref<8x128x64xf32, #tpu.memory_space<vmem>> -> memref<1x128x64xf32, #tpu.memory_space<vmem>>
    %dma_wait3A_541 = tpu.memref_squeeze %dma_wait3A_540 : memref<1x128x64xf32, #tpu.memory_space<vmem>> -> memref<128x64xf32, #tpu.memory_space<vmem>>
    %dma_wait3A_542 = arith.constant 24832 : i32
    %dma_wait3A_543 = tpu.memref_slice %arg5[%dma_wait3A_542] : memref<25600xi32, #tpu.memory_space<vmem>> -> memref<128xi32, #tpu.memory_space<vmem>>
    %dma_wait3A_544 = arith.constant 0 : i32
    %dma_wait3A_545 = arith.constant 0 : i32
    %dma_wait3A_546 = tpu.memref_slice %arg3[%dma_wait3A_544, %dma_wait3A_545] : memref<1000000x64xf32, #tpu.memory_space<hbm>> -> memref<1000000x64xf32, #tpu.memory_space<hbm>>
    tpu.wait_indirect_dma semaphore(%arg9 : memref<!tpu.dma_semaphore, #tpu.memory_space<semaphore_mem>>) src(%dma_wait3A_546 : memref<1000000x64xf32, #tpu.memory_space<hbm>>) dst(%dma_wait3A_541 : memref<128x64xf32, #tpu.memory_space<vmem>>)
    %add3A_547 = arith.constant 24832 : i32
    %add3A_548 = arith.addi %mul3A_2, %add3A_547 : i32
    %dma_start3A_549 = arith.constant 2 : i32
    %dma_start3A_550 = arith.constant 0 : i32
    %dma_start3A_551 = arith.constant 0 : i32
    %dma_start3A_552 = tpu.memref_slice %arg6[%dma_start3A_549, %dma_start3A_550, %dma_start3A_551] : memref<8x128x64xf32, #tpu.memory_space<vmem>> -> memref<1x128x64xf32, #tpu.memory_space<vmem>>
    %dma_start3A_553 = tpu.memref_squeeze %dma_start3A_552 : memref<1x128x64xf32, #tpu.memory_space<vmem>> -> memref<128x64xf32, #tpu.memory_space<vmem>>
    %dma_start3A_554 = arith.constant 0 : i32
    %dma_start3A_555 = tpu.memref_slice %arg4[%add3A_548, %dma_start3A_554] : memref<819200x64xf32, #tpu.memory_space<hbm>> -> memref<128x64xf32, #tpu.memory_space<hbm>>
    %dma_start3A_556 = arith.constant 0 : i32
    %dma_start3A_557 = tpu.memref_slice %arg4[%add3A_548, %dma_start3A_556] : memref<819200x64xf32, #tpu.memory_space<hbm>> -> memref<128x64xf32, #tpu.memory_space<hbm>>
    %dma_start3A_558 = arith.constant 0 : i32
    %dma_start3A_559 = arith.constant 0 : i32
    %dma_start3A_560 = tpu.memref_slice %arg6[%dma_start3A_549, %dma_start3A_558, %dma_start3A_559] : memref<8x128x64xf32, #tpu.memory_space<vmem>> -> memref<1x128x64xf32, #tpu.memory_space<vmem>>
    %dma_start3A_561 = tpu.memref_squeeze %dma_start3A_560 : memref<1x128x64xf32, #tpu.memory_space<vmem>> -> memref<128x64xf32, #tpu.memory_space<vmem>>
    tpu.enqueue_dma source(%dma_start3A_561 : memref<128x64xf32, #tpu.memory_space<vmem>>) target(%dma_start3A_557 : memref<128x64xf32, #tpu.memory_space<hbm>>) target_semaphore(%arg17 : memref<!tpu.dma_semaphore, #tpu.memory_space<semaphore_mem>>)
    %dma_wait3A_562 = arith.constant 3 : i32
    %dma_wait3A_563 = arith.constant 0 : i32
    %dma_wait3A_564 = arith.constant 0 : i32
    %dma_wait3A_565 = tpu.memref_slice %arg6[%dma_wait3A_562, %dma_wait3A_563, %dma_wait3A_564] : memref<8x128x64xf32, #tpu.memory_space<vmem>> -> memref<1x128x64xf32, #tpu.memory_space<vmem>>
    %dma_wait3A_566 = tpu.memref_squeeze %dma_wait3A_565 : memref<1x128x64xf32, #tpu.memory_space<vmem>> -> memref<128x64xf32, #tpu.memory_space<vmem>>
    %dma_wait3A_567 = arith.constant 24960 : i32
    %dma_wait3A_568 = tpu.memref_slice %arg5[%dma_wait3A_567] : memref<25600xi32, #tpu.memory_space<vmem>> -> memref<128xi32, #tpu.memory_space<vmem>>
    %dma_wait3A_569 = arith.constant 0 : i32
    %dma_wait3A_570 = arith.constant 0 : i32
    %dma_wait3A_571 = tpu.memref_slice %arg3[%dma_wait3A_569, %dma_wait3A_570] : memref<1000000x64xf32, #tpu.memory_space<hbm>> -> memref<1000000x64xf32, #tpu.memory_space<hbm>>
    tpu.wait_indirect_dma semaphore(%arg10 : memref<!tpu.dma_semaphore, #tpu.memory_space<semaphore_mem>>) src(%dma_wait3A_571 : memref<1000000x64xf32, #tpu.memory_space<hbm>>) dst(%dma_wait3A_566 : memref<128x64xf32, #tpu.memory_space<vmem>>)
    %add3A_572 = arith.constant 24960 : i32
    %add3A_573 = arith.addi %mul3A_2, %add3A_572 : i32
    %dma_start3A_574 = arith.constant 3 : i32
    %dma_start3A_575 = arith.constant 0 : i32
    %dma_start3A_576 = arith.constant 0 : i32
    %dma_start3A_577 = tpu.memref_slice %arg6[%dma_start3A_574, %dma_start3A_575, %dma_start3A_576] : memref<8x128x64xf32, #tpu.memory_space<vmem>> -> memref<1x128x64xf32, #tpu.memory_space<vmem>>
    %dma_start3A_578 = tpu.memref_squeeze %dma_start3A_577 : memref<1x128x64xf32, #tpu.memory_space<vmem>> -> memref<128x64xf32, #tpu.memory_space<vmem>>
    %dma_start3A_579 = arith.constant 0 : i32
    %dma_start3A_580 = tpu.memref_slice %arg4[%add3A_573, %dma_start3A_579] : memref<819200x64xf32, #tpu.memory_space<hbm>> -> memref<128x64xf32, #tpu.memory_space<hbm>>
    %dma_start3A_581 = arith.constant 0 : i32
    %dma_start3A_582 = tpu.memref_slice %arg4[%add3A_573, %dma_start3A_581] : memref<819200x64xf32, #tpu.memory_space<hbm>> -> memref<128x64xf32, #tpu.memory_space<hbm>>
    %dma_start3A_583 = arith.constant 0 : i32
    %dma_start3A_584 = arith.constant 0 : i32
    %dma_start3A_585 = tpu.memref_slice %arg6[%dma_start3A_574, %dma_start3A_583, %dma_start3A_584] : memref<8x128x64xf32, #tpu.memory_space<vmem>> -> memref<1x128x64xf32, #tpu.memory_space<vmem>>
    %dma_start3A_586 = tpu.memref_squeeze %dma_start3A_585 : memref<1x128x64xf32, #tpu.memory_space<vmem>> -> memref<128x64xf32, #tpu.memory_space<vmem>>
    tpu.enqueue_dma source(%dma_start3A_586 : memref<128x64xf32, #tpu.memory_space<vmem>>) target(%dma_start3A_582 : memref<128x64xf32, #tpu.memory_space<hbm>>) target_semaphore(%arg18 : memref<!tpu.dma_semaphore, #tpu.memory_space<semaphore_mem>>)
    %dma_wait3A_587 = arith.constant 4 : i32
    %dma_wait3A_588 = arith.constant 0 : i32
    %dma_wait3A_589 = arith.constant 0 : i32
    %dma_wait3A_590 = tpu.memref_slice %arg6[%dma_wait3A_587, %dma_wait3A_588, %dma_wait3A_589] : memref<8x128x64xf32, #tpu.memory_space<vmem>> -> memref<1x128x64xf32, #tpu.memory_space<vmem>>
    %dma_wait3A_591 = tpu.memref_squeeze %dma_wait3A_590 : memref<1x128x64xf32, #tpu.memory_space<vmem>> -> memref<128x64xf32, #tpu.memory_space<vmem>>
    %dma_wait3A_592 = arith.constant 25088 : i32
    %dma_wait3A_593 = tpu.memref_slice %arg5[%dma_wait3A_592] : memref<25600xi32, #tpu.memory_space<vmem>> -> memref<128xi32, #tpu.memory_space<vmem>>
    %dma_wait3A_594 = arith.constant 0 : i32
    %dma_wait3A_595 = arith.constant 0 : i32
    %dma_wait3A_596 = tpu.memref_slice %arg3[%dma_wait3A_594, %dma_wait3A_595] : memref<1000000x64xf32, #tpu.memory_space<hbm>> -> memref<1000000x64xf32, #tpu.memory_space<hbm>>
    tpu.wait_indirect_dma semaphore(%arg11 : memref<!tpu.dma_semaphore, #tpu.memory_space<semaphore_mem>>) src(%dma_wait3A_596 : memref<1000000x64xf32, #tpu.memory_space<hbm>>) dst(%dma_wait3A_591 : memref<128x64xf32, #tpu.memory_space<vmem>>)
    %add3A_597 = arith.constant 25088 : i32
    %add3A_598 = arith.addi %mul3A_2, %add3A_597 : i32
    %dma_start3A_599 = arith.constant 4 : i32
    %dma_start3A_600 = arith.constant 0 : i32
    %dma_start3A_601 = arith.constant 0 : i32
    %dma_start3A_602 = tpu.memref_slice %arg6[%dma_start3A_599, %dma_start3A_600, %dma_start3A_601] : memref<8x128x64xf32, #tpu.memory_space<vmem>> -> memref<1x128x64xf32, #tpu.memory_space<vmem>>
    %dma_start3A_603 = tpu.memref_squeeze %dma_start3A_602 : memref<1x128x64xf32, #tpu.memory_space<vmem>> -> memref<128x64xf32, #tpu.memory_space<vmem>>
    %dma_start3A_604 = arith.constant 0 : i32
    %dma_start3A_605 = tpu.memref_slice %arg4[%add3A_598, %dma_start3A_604] : memref<819200x64xf32, #tpu.memory_space<hbm>> -> memref<128x64xf32, #tpu.memory_space<hbm>>
    %dma_start3A_606 = arith.constant 0 : i32
    %dma_start3A_607 = tpu.memref_slice %arg4[%add3A_598, %dma_start3A_606] : memref<819200x64xf32, #tpu.memory_space<hbm>> -> memref<128x64xf32, #tpu.memory_space<hbm>>
    %dma_start3A_608 = arith.constant 0 : i32
    %dma_start3A_609 = arith.constant 0 : i32
    %dma_start3A_610 = tpu.memref_slice %arg6[%dma_start3A_599, %dma_start3A_608, %dma_start3A_609] : memref<8x128x64xf32, #tpu.memory_space<vmem>> -> memref<1x128x64xf32, #tpu.memory_space<vmem>>
    %dma_start3A_611 = tpu.memref_squeeze %dma_start3A_610 : memref<1x128x64xf32, #tpu.memory_space<vmem>> -> memref<128x64xf32, #tpu.memory_space<vmem>>
    tpu.enqueue_dma source(%dma_start3A_611 : memref<128x64xf32, #tpu.memory_space<vmem>>) target(%dma_start3A_607 : memref<128x64xf32, #tpu.memory_space<hbm>>) target_semaphore(%arg19 : memref<!tpu.dma_semaphore, #tpu.memory_space<semaphore_mem>>)
    %dma_wait3A_612 = arith.constant 5 : i32
    %dma_wait3A_613 = arith.constant 0 : i32
    %dma_wait3A_614 = arith.constant 0 : i32
    %dma_wait3A_615 = tpu.memref_slice %arg6[%dma_wait3A_612, %dma_wait3A_613, %dma_wait3A_614] : memref<8x128x64xf32, #tpu.memory_space<vmem>> -> memref<1x128x64xf32, #tpu.memory_space<vmem>>
    %dma_wait3A_616 = tpu.memref_squeeze %dma_wait3A_615 : memref<1x128x64xf32, #tpu.memory_space<vmem>> -> memref<128x64xf32, #tpu.memory_space<vmem>>
    %dma_wait3A_617 = arith.constant 25216 : i32
    %dma_wait3A_618 = tpu.memref_slice %arg5[%dma_wait3A_617] : memref<25600xi32, #tpu.memory_space<vmem>> -> memref<128xi32, #tpu.memory_space<vmem>>
    %dma_wait3A_619 = arith.constant 0 : i32
    %dma_wait3A_620 = arith.constant 0 : i32
    %dma_wait3A_621 = tpu.memref_slice %arg3[%dma_wait3A_619, %dma_wait3A_620] : memref<1000000x64xf32, #tpu.memory_space<hbm>> -> memref<1000000x64xf32, #tpu.memory_space<hbm>>
    tpu.wait_indirect_dma semaphore(%arg12 : memref<!tpu.dma_semaphore, #tpu.memory_space<semaphore_mem>>) src(%dma_wait3A_621 : memref<1000000x64xf32, #tpu.memory_space<hbm>>) dst(%dma_wait3A_616 : memref<128x64xf32, #tpu.memory_space<vmem>>)
    %add3A_622 = arith.constant 25216 : i32
    %add3A_623 = arith.addi %mul3A_2, %add3A_622 : i32
    %dma_start3A_624 = arith.constant 5 : i32
    %dma_start3A_625 = arith.constant 0 : i32
    %dma_start3A_626 = arith.constant 0 : i32
    %dma_start3A_627 = tpu.memref_slice %arg6[%dma_start3A_624, %dma_start3A_625, %dma_start3A_626] : memref<8x128x64xf32, #tpu.memory_space<vmem>> -> memref<1x128x64xf32, #tpu.memory_space<vmem>>
    %dma_start3A_628 = tpu.memref_squeeze %dma_start3A_627 : memref<1x128x64xf32, #tpu.memory_space<vmem>> -> memref<128x64xf32, #tpu.memory_space<vmem>>
    %dma_start3A_629 = arith.constant 0 : i32
    %dma_start3A_630 = tpu.memref_slice %arg4[%add3A_623, %dma_start3A_629] : memref<819200x64xf32, #tpu.memory_space<hbm>> -> memref<128x64xf32, #tpu.memory_space<hbm>>
    %dma_start3A_631 = arith.constant 0 : i32
    %dma_start3A_632 = tpu.memref_slice %arg4[%add3A_623, %dma_start3A_631] : memref<819200x64xf32, #tpu.memory_space<hbm>> -> memref<128x64xf32, #tpu.memory_space<hbm>>
    %dma_start3A_633 = arith.constant 0 : i32
    %dma_start3A_634 = arith.constant 0 : i32
    %dma_start3A_635 = tpu.memref_slice %arg6[%dma_start3A_624, %dma_start3A_633, %dma_start3A_634] : memref<8x128x64xf32, #tpu.memory_space<vmem>> -> memref<1x128x64xf32, #tpu.memory_space<vmem>>
    %dma_start3A_636 = tpu.memref_squeeze %dma_start3A_635 : memref<1x128x64xf32, #tpu.memory_space<vmem>> -> memref<128x64xf32, #tpu.memory_space<vmem>>
    tpu.enqueue_dma source(%dma_start3A_636 : memref<128x64xf32, #tpu.memory_space<vmem>>) target(%dma_start3A_632 : memref<128x64xf32, #tpu.memory_space<hbm>>) target_semaphore(%arg20 : memref<!tpu.dma_semaphore, #tpu.memory_space<semaphore_mem>>)
    %dma_wait3A_637 = arith.constant 6 : i32
    %dma_wait3A_638 = arith.constant 0 : i32
    %dma_wait3A_639 = arith.constant 0 : i32
    %dma_wait3A_640 = tpu.memref_slice %arg6[%dma_wait3A_637, %dma_wait3A_638, %dma_wait3A_639] : memref<8x128x64xf32, #tpu.memory_space<vmem>> -> memref<1x128x64xf32, #tpu.memory_space<vmem>>
    %dma_wait3A_641 = tpu.memref_squeeze %dma_wait3A_640 : memref<1x128x64xf32, #tpu.memory_space<vmem>> -> memref<128x64xf32, #tpu.memory_space<vmem>>
    %dma_wait3A_642 = arith.constant 25344 : i32
    %dma_wait3A_643 = tpu.memref_slice %arg5[%dma_wait3A_642] : memref<25600xi32, #tpu.memory_space<vmem>> -> memref<128xi32, #tpu.memory_space<vmem>>
    %dma_wait3A_644 = arith.constant 0 : i32
    %dma_wait3A_645 = arith.constant 0 : i32
    %dma_wait3A_646 = tpu.memref_slice %arg3[%dma_wait3A_644, %dma_wait3A_645] : memref<1000000x64xf32, #tpu.memory_space<hbm>> -> memref<1000000x64xf32, #tpu.memory_space<hbm>>
    tpu.wait_indirect_dma semaphore(%arg13 : memref<!tpu.dma_semaphore, #tpu.memory_space<semaphore_mem>>) src(%dma_wait3A_646 : memref<1000000x64xf32, #tpu.memory_space<hbm>>) dst(%dma_wait3A_641 : memref<128x64xf32, #tpu.memory_space<vmem>>)
    %add3A_647 = arith.constant 25344 : i32
    %add3A_648 = arith.addi %mul3A_2, %add3A_647 : i32
    %dma_start3A_649 = arith.constant 6 : i32
    %dma_start3A_650 = arith.constant 0 : i32
    %dma_start3A_651 = arith.constant 0 : i32
    %dma_start3A_652 = tpu.memref_slice %arg6[%dma_start3A_649, %dma_start3A_650, %dma_start3A_651] : memref<8x128x64xf32, #tpu.memory_space<vmem>> -> memref<1x128x64xf32, #tpu.memory_space<vmem>>
    %dma_start3A_653 = tpu.memref_squeeze %dma_start3A_652 : memref<1x128x64xf32, #tpu.memory_space<vmem>> -> memref<128x64xf32, #tpu.memory_space<vmem>>
    %dma_start3A_654 = arith.constant 0 : i32
    %dma_start3A_655 = tpu.memref_slice %arg4[%add3A_648, %dma_start3A_654] : memref<819200x64xf32, #tpu.memory_space<hbm>> -> memref<128x64xf32, #tpu.memory_space<hbm>>
    %dma_start3A_656 = arith.constant 0 : i32
    %dma_start3A_657 = tpu.memref_slice %arg4[%add3A_648, %dma_start3A_656] : memref<819200x64xf32, #tpu.memory_space<hbm>> -> memref<128x64xf32, #tpu.memory_space<hbm>>
    %dma_start3A_658 = arith.constant 0 : i32
    %dma_start3A_659 = arith.constant 0 : i32
    %dma_start3A_660 = tpu.memref_slice %arg6[%dma_start3A_649, %dma_start3A_658, %dma_start3A_659] : memref<8x128x64xf32, #tpu.memory_space<vmem>> -> memref<1x128x64xf32, #tpu.memory_space<vmem>>
    %dma_start3A_661 = tpu.memref_squeeze %dma_start3A_660 : memref<1x128x64xf32, #tpu.memory_space<vmem>> -> memref<128x64xf32, #tpu.memory_space<vmem>>
    tpu.enqueue_dma source(%dma_start3A_661 : memref<128x64xf32, #tpu.memory_space<vmem>>) target(%dma_start3A_657 : memref<128x64xf32, #tpu.memory_space<hbm>>) target_semaphore(%arg21 : memref<!tpu.dma_semaphore, #tpu.memory_space<semaphore_mem>>)
    %dma_wait3A_662 = arith.constant 7 : i32
    %dma_wait3A_663 = arith.constant 0 : i32
    %dma_wait3A_664 = arith.constant 0 : i32
    %dma_wait3A_665 = tpu.memref_slice %arg6[%dma_wait3A_662, %dma_wait3A_663, %dma_wait3A_664] : memref<8x128x64xf32, #tpu.memory_space<vmem>> -> memref<1x128x64xf32, #tpu.memory_space<vmem>>
    %dma_wait3A_666 = tpu.memref_squeeze %dma_wait3A_665 : memref<1x128x64xf32, #tpu.memory_space<vmem>> -> memref<128x64xf32, #tpu.memory_space<vmem>>
    %dma_wait3A_667 = arith.constant 25472 : i32
    %dma_wait3A_668 = tpu.memref_slice %arg5[%dma_wait3A_667] : memref<25600xi32, #tpu.memory_space<vmem>> -> memref<128xi32, #tpu.memory_space<vmem>>
    %dma_wait3A_669 = arith.constant 0 : i32
    %dma_wait3A_670 = arith.constant 0 : i32
    %dma_wait3A_671 = tpu.memref_slice %arg3[%dma_wait3A_669, %dma_wait3A_670] : memref<1000000x64xf32, #tpu.memory_space<hbm>> -> memref<1000000x64xf32, #tpu.memory_space<hbm>>
    tpu.wait_indirect_dma semaphore(%arg14 : memref<!tpu.dma_semaphore, #tpu.memory_space<semaphore_mem>>) src(%dma_wait3A_671 : memref<1000000x64xf32, #tpu.memory_space<hbm>>) dst(%dma_wait3A_666 : memref<128x64xf32, #tpu.memory_space<vmem>>)
    %add3A_672 = arith.constant 25472 : i32
    %add3A_673 = arith.addi %mul3A_2, %add3A_672 : i32
    %dma_start3A_674 = arith.constant 7 : i32
    %dma_start3A_675 = arith.constant 0 : i32
    %dma_start3A_676 = arith.constant 0 : i32
    %dma_start3A_677 = tpu.memref_slice %arg6[%dma_start3A_674, %dma_start3A_675, %dma_start3A_676] : memref<8x128x64xf32, #tpu.memory_space<vmem>> -> memref<1x128x64xf32, #tpu.memory_space<vmem>>
    %dma_start3A_678 = tpu.memref_squeeze %dma_start3A_677 : memref<1x128x64xf32, #tpu.memory_space<vmem>> -> memref<128x64xf32, #tpu.memory_space<vmem>>
    %dma_start3A_679 = arith.constant 0 : i32
    %dma_start3A_680 = tpu.memref_slice %arg4[%add3A_673, %dma_start3A_679] : memref<819200x64xf32, #tpu.memory_space<hbm>> -> memref<128x64xf32, #tpu.memory_space<hbm>>
    %dma_start3A_681 = arith.constant 0 : i32
    %dma_start3A_682 = tpu.memref_slice %arg4[%add3A_673, %dma_start3A_681] : memref<819200x64xf32, #tpu.memory_space<hbm>> -> memref<128x64xf32, #tpu.memory_space<hbm>>
    %dma_start3A_683 = arith.constant 0 : i32
    %dma_start3A_684 = arith.constant 0 : i32
    %dma_start3A_685 = tpu.memref_slice %arg6[%dma_start3A_674, %dma_start3A_683, %dma_start3A_684] : memref<8x128x64xf32, #tpu.memory_space<vmem>> -> memref<1x128x64xf32, #tpu.memory_space<vmem>>
    %dma_start3A_686 = tpu.memref_squeeze %dma_start3A_685 : memref<1x128x64xf32, #tpu.memory_space<vmem>> -> memref<128x64xf32, #tpu.memory_space<vmem>>
    tpu.enqueue_dma source(%dma_start3A_686 : memref<128x64xf32, #tpu.memory_space<vmem>>) target(%dma_start3A_682 : memref<128x64xf32, #tpu.memory_space<hbm>>) target_semaphore(%arg22 : memref<!tpu.dma_semaphore, #tpu.memory_space<semaphore_mem>>)
    %add3A_687 = arith.constant 24576 : i32
    %add3A_688 = arith.addi %mul3A_2, %add3A_687 : i32
    %dma_wait3A_689 = arith.constant 0 : i32
    %dma_wait3A_690 = arith.constant 0 : i32
    %dma_wait3A_691 = arith.constant 0 : i32
    %dma_wait3A_692 = tpu.memref_slice %arg6[%dma_wait3A_689, %dma_wait3A_690, %dma_wait3A_691] : memref<8x128x64xf32, #tpu.memory_space<vmem>> -> memref<1x128x64xf32, #tpu.memory_space<vmem>>
    %dma_wait3A_693 = tpu.memref_squeeze %dma_wait3A_692 : memref<1x128x64xf32, #tpu.memory_space<vmem>> -> memref<128x64xf32, #tpu.memory_space<vmem>>
    %dma_wait3A_694 = arith.constant 0 : i32
    %dma_wait3A_695 = tpu.memref_slice %arg4[%add3A_688, %dma_wait3A_694] : memref<819200x64xf32, #tpu.memory_space<hbm>> -> memref<128x64xf32, #tpu.memory_space<hbm>>
    %dma_wait3A_696 = arith.constant 0 : i32
    %dma_wait3A_697 = tpu.memref_slice %arg4[%add3A_688, %dma_wait3A_696] : memref<819200x64xf32, #tpu.memory_space<hbm>> -> memref<128x64xf32, #tpu.memory_space<hbm>>
    %dma_wait3A_698 = arith.constant 0 : i32
    %dma_wait3A_699 = arith.constant 0 : i32
    %dma_wait3A_700 = tpu.memref_slice %arg6[%dma_wait3A_689, %dma_wait3A_698, %dma_wait3A_699] : memref<8x128x64xf32, #tpu.memory_space<vmem>> -> memref<1x128x64xf32, #tpu.memory_space<vmem>>
    %dma_wait3A_701 = tpu.memref_squeeze %dma_wait3A_700 : memref<1x128x64xf32, #tpu.memory_space<vmem>> -> memref<128x64xf32, #tpu.memory_space<vmem>>
    tpu.wait_dma2 semaphore(%arg15 : memref<!tpu.dma_semaphore, #tpu.memory_space<semaphore_mem>>) src(%dma_wait3A_701 : memref<128x64xf32, #tpu.memory_space<vmem>>) dst(%dma_wait3A_697 : memref<128x64xf32, #tpu.memory_space<hbm>>)
    %add3A_702 = arith.constant 24704 : i32
    %add3A_703 = arith.addi %mul3A_2, %add3A_702 : i32
    %dma_wait3A_704 = arith.constant 1 : i32
    %dma_wait3A_705 = arith.constant 0 : i32
    %dma_wait3A_706 = arith.constant 0 : i32
    %dma_wait3A_707 = tpu.memref_slice %arg6[%dma_wait3A_704, %dma_wait3A_705, %dma_wait3A_706] : memref<8x128x64xf32, #tpu.memory_space<vmem>> -> memref<1x128x64xf32, #tpu.memory_space<vmem>>
    %dma_wait3A_708 = tpu.memref_squeeze %dma_wait3A_707 : memref<1x128x64xf32, #tpu.memory_space<vmem>> -> memref<128x64xf32, #tpu.memory_space<vmem>>
    %dma_wait3A_709 = arith.constant 0 : i32
    %dma_wait3A_710 = tpu.memref_slice %arg4[%add3A_703, %dma_wait3A_709] : memref<819200x64xf32, #tpu.memory_space<hbm>> -> memref<128x64xf32, #tpu.memory_space<hbm>>
    %dma_wait3A_711 = arith.constant 0 : i32
    %dma_wait3A_712 = tpu.memref_slice %arg4[%add3A_703, %dma_wait3A_711] : memref<819200x64xf32, #tpu.memory_space<hbm>> -> memref<128x64xf32, #tpu.memory_space<hbm>>
    %dma_wait3A_713 = arith.constant 0 : i32
    %dma_wait3A_714 = arith.constant 0 : i32
    %dma_wait3A_715 = tpu.memref_slice %arg6[%dma_wait3A_704, %dma_wait3A_713, %dma_wait3A_714] : memref<8x128x64xf32, #tpu.memory_space<vmem>> -> memref<1x128x64xf32, #tpu.memory_space<vmem>>
    %dma_wait3A_716 = tpu.memref_squeeze %dma_wait3A_715 : memref<1x128x64xf32, #tpu.memory_space<vmem>> -> memref<128x64xf32, #tpu.memory_space<vmem>>
    tpu.wait_dma2 semaphore(%arg16 : memref<!tpu.dma_semaphore, #tpu.memory_space<semaphore_mem>>) src(%dma_wait3A_716 : memref<128x64xf32, #tpu.memory_space<vmem>>) dst(%dma_wait3A_712 : memref<128x64xf32, #tpu.memory_space<hbm>>)
    %add3A_717 = arith.constant 24832 : i32
    %add3A_718 = arith.addi %mul3A_2, %add3A_717 : i32
    %dma_wait3A_719 = arith.constant 2 : i32
    %dma_wait3A_720 = arith.constant 0 : i32
    %dma_wait3A_721 = arith.constant 0 : i32
    %dma_wait3A_722 = tpu.memref_slice %arg6[%dma_wait3A_719, %dma_wait3A_720, %dma_wait3A_721] : memref<8x128x64xf32, #tpu.memory_space<vmem>> -> memref<1x128x64xf32, #tpu.memory_space<vmem>>
    %dma_wait3A_723 = tpu.memref_squeeze %dma_wait3A_722 : memref<1x128x64xf32, #tpu.memory_space<vmem>> -> memref<128x64xf32, #tpu.memory_space<vmem>>
    %dma_wait3A_724 = arith.constant 0 : i32
    %dma_wait3A_725 = tpu.memref_slice %arg4[%add3A_718, %dma_wait3A_724] : memref<819200x64xf32, #tpu.memory_space<hbm>> -> memref<128x64xf32, #tpu.memory_space<hbm>>
    %dma_wait3A_726 = arith.constant 0 : i32
    %dma_wait3A_727 = tpu.memref_slice %arg4[%add3A_718, %dma_wait3A_726] : memref<819200x64xf32, #tpu.memory_space<hbm>> -> memref<128x64xf32, #tpu.memory_space<hbm>>
    %dma_wait3A_728 = arith.constant 0 : i32
    %dma_wait3A_729 = arith.constant 0 : i32
    %dma_wait3A_730 = tpu.memref_slice %arg6[%dma_wait3A_719, %dma_wait3A_728, %dma_wait3A_729] : memref<8x128x64xf32, #tpu.memory_space<vmem>> -> memref<1x128x64xf32, #tpu.memory_space<vmem>>
    %dma_wait3A_731 = tpu.memref_squeeze %dma_wait3A_730 : memref<1x128x64xf32, #tpu.memory_space<vmem>> -> memref<128x64xf32, #tpu.memory_space<vmem>>
    tpu.wait_dma2 semaphore(%arg17 : memref<!tpu.dma_semaphore, #tpu.memory_space<semaphore_mem>>) src(%dma_wait3A_731 : memref<128x64xf32, #tpu.memory_space<vmem>>) dst(%dma_wait3A_727 : memref<128x64xf32, #tpu.memory_space<hbm>>)
    %add3A_732 = arith.constant 24960 : i32
    %add3A_733 = arith.addi %mul3A_2, %add3A_732 : i32
    %dma_wait3A_734 = arith.constant 3 : i32
    %dma_wait3A_735 = arith.constant 0 : i32
    %dma_wait3A_736 = arith.constant 0 : i32
    %dma_wait3A_737 = tpu.memref_slice %arg6[%dma_wait3A_734, %dma_wait3A_735, %dma_wait3A_736] : memref<8x128x64xf32, #tpu.memory_space<vmem>> -> memref<1x128x64xf32, #tpu.memory_space<vmem>>
    %dma_wait3A_738 = tpu.memref_squeeze %dma_wait3A_737 : memref<1x128x64xf32, #tpu.memory_space<vmem>> -> memref<128x64xf32, #tpu.memory_space<vmem>>
    %dma_wait3A_739 = arith.constant 0 : i32
    %dma_wait3A_740 = tpu.memref_slice %arg4[%add3A_733, %dma_wait3A_739] : memref<819200x64xf32, #tpu.memory_space<hbm>> -> memref<128x64xf32, #tpu.memory_space<hbm>>
    %dma_wait3A_741 = arith.constant 0 : i32
    %dma_wait3A_742 = tpu.memref_slice %arg4[%add3A_733, %dma_wait3A_741] : memref<819200x64xf32, #tpu.memory_space<hbm>> -> memref<128x64xf32, #tpu.memory_space<hbm>>
    %dma_wait3A_743 = arith.constant 0 : i32
    %dma_wait3A_744 = arith.constant 0 : i32
    %dma_wait3A_745 = tpu.memref_slice %arg6[%dma_wait3A_734, %dma_wait3A_743, %dma_wait3A_744] : memref<8x128x64xf32, #tpu.memory_space<vmem>> -> memref<1x128x64xf32, #tpu.memory_space<vmem>>
    %dma_wait3A_746 = tpu.memref_squeeze %dma_wait3A_745 : memref<1x128x64xf32, #tpu.memory_space<vmem>> -> memref<128x64xf32, #tpu.memory_space<vmem>>
    tpu.wait_dma2 semaphore(%arg18 : memref<!tpu.dma_semaphore, #tpu.memory_space<semaphore_mem>>) src(%dma_wait3A_746 : memref<128x64xf32, #tpu.memory_space<vmem>>) dst(%dma_wait3A_742 : memref<128x64xf32, #tpu.memory_space<hbm>>)
    %add3A_747 = arith.constant 25088 : i32
    %add3A_748 = arith.addi %mul3A_2, %add3A_747 : i32
    %dma_wait3A_749 = arith.constant 4 : i32
    %dma_wait3A_750 = arith.constant 0 : i32
    %dma_wait3A_751 = arith.constant 0 : i32
    %dma_wait3A_752 = tpu.memref_slice %arg6[%dma_wait3A_749, %dma_wait3A_750, %dma_wait3A_751] : memref<8x128x64xf32, #tpu.memory_space<vmem>> -> memref<1x128x64xf32, #tpu.memory_space<vmem>>
    %dma_wait3A_753 = tpu.memref_squeeze %dma_wait3A_752 : memref<1x128x64xf32, #tpu.memory_space<vmem>> -> memref<128x64xf32, #tpu.memory_space<vmem>>
    %dma_wait3A_754 = arith.constant 0 : i32
    %dma_wait3A_755 = tpu.memref_slice %arg4[%add3A_748, %dma_wait3A_754] : memref<819200x64xf32, #tpu.memory_space<hbm>> -> memref<128x64xf32, #tpu.memory_space<hbm>>
    %dma_wait3A_756 = arith.constant 0 : i32
    %dma_wait3A_757 = tpu.memref_slice %arg4[%add3A_748, %dma_wait3A_756] : memref<819200x64xf32, #tpu.memory_space<hbm>> -> memref<128x64xf32, #tpu.memory_space<hbm>>
    %dma_wait3A_758 = arith.constant 0 : i32
    %dma_wait3A_759 = arith.constant 0 : i32
    %dma_wait3A_760 = tpu.memref_slice %arg6[%dma_wait3A_749, %dma_wait3A_758, %dma_wait3A_759] : memref<8x128x64xf32, #tpu.memory_space<vmem>> -> memref<1x128x64xf32, #tpu.memory_space<vmem>>
    %dma_wait3A_761 = tpu.memref_squeeze %dma_wait3A_760 : memref<1x128x64xf32, #tpu.memory_space<vmem>> -> memref<128x64xf32, #tpu.memory_space<vmem>>
    tpu.wait_dma2 semaphore(%arg19 : memref<!tpu.dma_semaphore, #tpu.memory_space<semaphore_mem>>) src(%dma_wait3A_761 : memref<128x64xf32, #tpu.memory_space<vmem>>) dst(%dma_wait3A_757 : memref<128x64xf32, #tpu.memory_space<hbm>>)
    %add3A_762 = arith.constant 25216 : i32
    %add3A_763 = arith.addi %mul3A_2, %add3A_762 : i32
    %dma_wait3A_764 = arith.constant 5 : i32
    %dma_wait3A_765 = arith.constant 0 : i32
    %dma_wait3A_766 = arith.constant 0 : i32
    %dma_wait3A_767 = tpu.memref_slice %arg6[%dma_wait3A_764, %dma_wait3A_765, %dma_wait3A_766] : memref<8x128x64xf32, #tpu.memory_space<vmem>> -> memref<1x128x64xf32, #tpu.memory_space<vmem>>
    %dma_wait3A_768 = tpu.memref_squeeze %dma_wait3A_767 : memref<1x128x64xf32, #tpu.memory_space<vmem>> -> memref<128x64xf32, #tpu.memory_space<vmem>>
    %dma_wait3A_769 = arith.constant 0 : i32
    %dma_wait3A_770 = tpu.memref_slice %arg4[%add3A_763, %dma_wait3A_769] : memref<819200x64xf32, #tpu.memory_space<hbm>> -> memref<128x64xf32, #tpu.memory_space<hbm>>
    %dma_wait3A_771 = arith.constant 0 : i32
    %dma_wait3A_772 = tpu.memref_slice %arg4[%add3A_763, %dma_wait3A_771] : memref<819200x64xf32, #tpu.memory_space<hbm>> -> memref<128x64xf32, #tpu.memory_space<hbm>>
    %dma_wait3A_773 = arith.constant 0 : i32
    %dma_wait3A_774 = arith.constant 0 : i32
    %dma_wait3A_775 = tpu.memref_slice %arg6[%dma_wait3A_764, %dma_wait3A_773, %dma_wait3A_774] : memref<8x128x64xf32, #tpu.memory_space<vmem>> -> memref<1x128x64xf32, #tpu.memory_space<vmem>>
    %dma_wait3A_776 = tpu.memref_squeeze %dma_wait3A_775 : memref<1x128x64xf32, #tpu.memory_space<vmem>> -> memref<128x64xf32, #tpu.memory_space<vmem>>
    tpu.wait_dma2 semaphore(%arg20 : memref<!tpu.dma_semaphore, #tpu.memory_space<semaphore_mem>>) src(%dma_wait3A_776 : memref<128x64xf32, #tpu.memory_space<vmem>>) dst(%dma_wait3A_772 : memref<128x64xf32, #tpu.memory_space<hbm>>)
    %add3A_777 = arith.constant 25344 : i32
    %add3A_778 = arith.addi %mul3A_2, %add3A_777 : i32
    %dma_wait3A_779 = arith.constant 6 : i32
    %dma_wait3A_780 = arith.constant 0 : i32
    %dma_wait3A_781 = arith.constant 0 : i32
    %dma_wait3A_782 = tpu.memref_slice %arg6[%dma_wait3A_779, %dma_wait3A_780, %dma_wait3A_781] : memref<8x128x64xf32, #tpu.memory_space<vmem>> -> memref<1x128x64xf32, #tpu.memory_space<vmem>>
    %dma_wait3A_783 = tpu.memref_squeeze %dma_wait3A_782 : memref<1x128x64xf32, #tpu.memory_space<vmem>> -> memref<128x64xf32, #tpu.memory_space<vmem>>
    %dma_wait3A_784 = arith.constant 0 : i32
    %dma_wait3A_785 = tpu.memref_slice %arg4[%add3A_778, %dma_wait3A_784] : memref<819200x64xf32, #tpu.memory_space<hbm>> -> memref<128x64xf32, #tpu.memory_space<hbm>>
    %dma_wait3A_786 = arith.constant 0 : i32
    %dma_wait3A_787 = tpu.memref_slice %arg4[%add3A_778, %dma_wait3A_786] : memref<819200x64xf32, #tpu.memory_space<hbm>> -> memref<128x64xf32, #tpu.memory_space<hbm>>
    %dma_wait3A_788 = arith.constant 0 : i32
    %dma_wait3A_789 = arith.constant 0 : i32
    %dma_wait3A_790 = tpu.memref_slice %arg6[%dma_wait3A_779, %dma_wait3A_788, %dma_wait3A_789] : memref<8x128x64xf32, #tpu.memory_space<vmem>> -> memref<1x128x64xf32, #tpu.memory_space<vmem>>
    %dma_wait3A_791 = tpu.memref_squeeze %dma_wait3A_790 : memref<1x128x64xf32, #tpu.memory_space<vmem>> -> memref<128x64xf32, #tpu.memory_space<vmem>>
    tpu.wait_dma2 semaphore(%arg21 : memref<!tpu.dma_semaphore, #tpu.memory_space<semaphore_mem>>) src(%dma_wait3A_791 : memref<128x64xf32, #tpu.memory_space<vmem>>) dst(%dma_wait3A_787 : memref<128x64xf32, #tpu.memory_space<hbm>>)
    %add3A_792 = arith.constant 25472 : i32
    %add3A_793 = arith.addi %mul3A_2, %add3A_792 : i32
    %dma_wait3A_794 = arith.constant 7 : i32
    %dma_wait3A_795 = arith.constant 0 : i32
    %dma_wait3A_796 = arith.constant 0 : i32
    %dma_wait3A_797 = tpu.memref_slice %arg6[%dma_wait3A_794, %dma_wait3A_795, %dma_wait3A_796] : memref<8x128x64xf32, #tpu.memory_space<vmem>> -> memref<1x128x64xf32, #tpu.memory_space<vmem>>
    %dma_wait3A_798 = tpu.memref_squeeze %dma_wait3A_797 : memref<1x128x64xf32, #tpu.memory_space<vmem>> -> memref<128x64xf32, #tpu.memory_space<vmem>>
    %dma_wait3A_799 = arith.constant 0 : i32
    %dma_wait3A_800 = tpu.memref_slice %arg4[%add3A_793, %dma_wait3A_799] : memref<819200x64xf32, #tpu.memory_space<hbm>> -> memref<128x64xf32, #tpu.memory_space<hbm>>
    %dma_wait3A_801 = arith.constant 0 : i32
    %dma_wait3A_802 = tpu.memref_slice %arg4[%add3A_793, %dma_wait3A_801] : memref<819200x64xf32, #tpu.memory_space<hbm>> -> memref<128x64xf32, #tpu.memory_space<hbm>>
    %dma_wait3A_803 = arith.constant 0 : i32
    %dma_wait3A_804 = arith.constant 0 : i32
    %dma_wait3A_805 = tpu.memref_slice %arg6[%dma_wait3A_794, %dma_wait3A_803, %dma_wait3A_804] : memref<8x128x64xf32, #tpu.memory_space<vmem>> -> memref<1x128x64xf32, #tpu.memory_space<vmem>>
    %dma_wait3A_806 = tpu.memref_squeeze %dma_wait3A_805 : memref<1x128x64xf32, #tpu.memory_space<vmem>> -> memref<128x64xf32, #tpu.memory_space<vmem>>
    tpu.wait_dma2 semaphore(%arg22 : memref<!tpu.dma_semaphore, #tpu.memory_space<semaphore_mem>>) src(%dma_wait3A_806 : memref<128x64xf32, #tpu.memory_space<vmem>>) dst(%dma_wait3A_802 : memref<128x64xf32, #tpu.memory_space<hbm>>)
    return
  }
}

</mosaic_0001>

<sc_bundles>
// kernel: _embed.3.cloned.1.call-start
scs
__scs_entry_jumppad:
0x0: {  	(pc) =	sbr.rel $0x88, $3  }
0x1: {  	(tag) =	ssettag $0x0;
	lr =	simm.s32 $0x1  }
0x2: {  	[smem:$0x3F9F] =	sst lr;
	_ =	strace $0xD0000000  }
0x3: {  	_ = 	snop  }
0x4: {  	_ = 	snop  }
0x5: {  	_ = 	snop  }
0x6: {  	_ = 	snop  }
0x7: {  	_ = 	snop  }
__scs_overlays_trampoline_lowered:
0x8: {  	[smem:$0x3FAE] =	sst s0  }
0x9: {  	[smem:$0x3FAF] =	sst s1  }
0xa: {  	[smem:$0x3FB0] =	sst s2  }
0xb: {  	[smem:$0x3FB1] =	sst s3  }
0xc: {  	[smem:$0x3FB2] =	sst s4  }
0xd: {  	[smem:$0x3FB3] =	sst s5  }
0xe: {  	[smem:$0x3FB4] =	sst s6  }
0xf: {  	[smem:$0x3FB5] =	sst s7  }
0x10: {  	[smem:$0x3FB6] =	sst s8  }
0x11: {  	[smem:$0x3FB7] =	sst s9;
	s0 =	simm.s32 @!p0 $0x0  }
0x12: {  	s1 =	sld [smem:$0x3F9D];
	s0 =	simm.s32 @p0 $0x1  }
0x13: {  	[smem:$0x3FB8] =	sst s0;
	s0 =	simm.s32 @!p1 $0x0  }
0x14: {  	s2 =	sld [smem:$0x3F9C];
	s0 =	simm.s32 @p1 $0x1  }
0x15: {  	[smem:$0x3FB9] =	sst s0;
	s0 =	simm.s32 @!p2 $0x0  }
0x16: {  	s3 =	sld [smem:$0x3FDB];
	s0 =	simm.s32 @p2 $0x1  }
0x17: {  	s4 =	simm.s32 $0x1BF5;
	[smem:$0x3FBB] =	sst s0  }
0x18: {  	s0 =	sld [smem:$0x3F9E];
	_ =	swait.ge [sflag:s4], $0x0  }
0x19: {  	s7 =	sld [smem:$0x3F9F]  }
0x1a: {  	s8 =	sadd.s32 $0xFFFFE003, lr  }
0x1b: {  	s9 =	sadd.s32 $0xFFFFFEF7, lr;
	s5 =	simm.s32 $0xFFFFFFFF;
	p2 =	slt.u32 s8, $0xFFFFF086  }
0x1c: {  	p1 =	slt.u32 s9, $0xF7A;
	s5 =	simm.s32 @!p2 $0x0  }
0x1d: {  	s5 =	simm.s32 @p1 $0x1;
	p0 =	seq.s32 s7, s2  }
0x1e: {  	s7 =	smul.u32 @!p0 $0xF7A, s2;
	p2 =	seq.s32 @!p0 s5, $0x0  }
0x1f: {  	s9 =	smul.u32 $0xF7A, s1;
	s8 =	simm.s32 @!p0 $0x1BF5;
	p2 =	por !p2, p0  }
0x20: {  	[sflag:s8] =	ssyncset.s32 @!p0 $0xFFFFF086;
	s6 =	sadd.s32 @!p0 s3, s7;
	s7 =	simm.s32 @!p0 $0x108  }
0x21: {  	s3 =	sadd.s32 s3, s9;
	s6 =	sadd.s32 @!p0 $0x88, s6;
	s7 =	simm.s32 @p2 $0x1082  }
0x22: {  	[simem:s7], [sflag:s8] =	dma.local @!p0 [hbm:s6], $0xF7A  }
0x23: {  	s9 =	sor.u32 $0xD0000000, s2;
	s6 =	simm.s32 $0x108;
	_ =	swait.ge @!p0 [sflag:s8], $0x0  }
0x24: {  	s3 =	sadd.s32 $0x88, s3;
	s6 =	simm.s32 @!p1 $0x1082;
	[sflag:s4] =	ssyncset.s32 $0xFFFFF086  }
0x25: {  	[simem:s6], [sflag:s4] =	dma.local [hbm:s3], $0xF7A  }
0x26: {  	[smem:$0x3F9F] =	sst s1;
	(tag) =	ssettag s2;
	_ =	strace s9  }
0x27: {  	s1 =	sld [smem:$0x3FAF]  }
0x28: {  	s2 =	sld [smem:$0x3FB0]  }
0x29: {  	s4 =	sld [smem:$0x3FB2]  }
0x2a: {  	p0 =	seq.s32 s5, $0x0;
	s5 =	sld [smem:$0x3FB3]  }
0x2b: {  	s6 =	sld [smem:$0x3FB4]  }
0x2c: {  	s7 =	sld [smem:$0x3FB5]  }
0x2d: {  	s3 =	simm.s32 $0x108;
	s8 =	sld [smem:$0x3FB6]  }
0x2e: {  	s3 =	simm.s32 @!p0 $0x1082;
	s9 =	sld [smem:$0x3FB7]  }
0x2f: {  	lr =	sadd.s32 s0, s3;
	s0 =	sld [smem:$0x3FAE]  }
0x30: {  	s3 =	sld [smem:$0x3FB1]  }
0x31: {  	[smem:$0x3FBA] =	sst s10  }
0x32: {  	s10 =	sld [smem:$0x3FB8];
	_ =	sdelay $0x3  }
0x33: {  	p0 =	seq.s32 s10, $0x1;
	s10 =	sld [smem:$0x3FBA];
	_ =	sdelay $0x3  }
0x34: {  	[smem:$0x3FBA] =	sst s10  }
0x35: {  	s10 =	sld [smem:$0x3FB9];
	_ =	sdelay $0x3  }
0x36: {  	p1 =	seq.s32 s10, $0x1;
	s10 =	sld [smem:$0x3FBA];
	_ =	sdelay $0x3  }
0x37: {  	[smem:$0x3FBA] =	sst s10  }
0x38: {  	s10 =	sld [smem:$0x3FBB]  }
0x39: {  	_ = 	snop;
	(pc) =	sbr.ind lr, $3  }
0x3a: {  	_ = 	snop  }
0x3b: {  	_ = 	snop  }
0x3c: {  	p2 =	seq.s32 s10, $0x1;
	s10 =	sld [smem:$0x3FBA]  }
0x3d: {  	_ =	shalt  }
0x3e: {  	_ =	shalt  }
0x3f: {  	_ =	shalt  }
0x40: {  	_ =	shalt  }
0x41: {  	_ =	shalt  }
0x42: {  	_ =	shalt  }
0x43: {  	_ =	shalt  }
0x44: {  	_ =	shalt  }
0x45: {  	_ =	shalt  }
0x46: {  	_ =	shalt  }
0x47: {  	_ =	shalt  }
0x48: {  	_ =	shalt  }
0x49: {  	_ =	shalt  }
0x4a: {  	_ =	shalt  }
0x4b: {  	_ =	shalt  }
0x4c: {  	_ =	shalt  }
0x4d: {  	_ =	shalt  }
0x4e: {  	_ =	shalt  }
0x4f: {  	_ =	shalt  }
0x50: {  	_ =	shalt  }
0x51: {  	_ =	shalt  }
0x52: {  	_ =	shalt  }
0x53: {  	_ =	shalt  }
0x54: {  	_ =	shalt  }
0x55: {  	_ =	shalt  }
0x56: {  	_ =	shalt  }
0x57: {  	_ =	shalt  }
0x58: {  	_ =	shalt  }
0x59: {  	_ =	shalt  }
0x5a: {  	_ =	shalt  }
0x5b: {  	_ =	shalt  }
0x5c: {  	_ =	shalt  }
0x5d: {  	_ =	shalt  }
0x5e: {  	_ =	shalt  }
0x5f: {  	_ =	shalt  }
0x60: {  	_ =	shalt  }
0x61: {  	_ =	shalt  }
0x62: {  	_ =	shalt  }
0x63: {  	_ =	shalt  }
0x64: {  	_ =	shalt  }
0x65: {  	_ =	shalt  }
0x66: {  	_ =	shalt  }
0x67: {  	_ =	shalt  }
0x68: {  	_ =	shalt  }
0x69: {  	_ =	shalt  }
0x6a: {  	_ =	shalt  }
0x6b: {  	_ =	shalt  }
0x6c: {  	_ =	shalt  }
0x6d: {  	_ =	shalt  }
0x6e: {  	_ =	shalt  }
0x6f: {  	_ =	shalt  }
0x70: {  	_ =	shalt  }
0x71: {  	_ =	shalt  }
0x72: {  	_ =	shalt  }
0x73: {  	_ =	shalt  }
0x74: {  	_ =	shalt  }
0x75: {  	_ =	shalt  }
0x76: {  	_ =	shalt  }
0x77: {  	_ =	shalt  }
0x78: {  	_ =	shalt  }
0x79: {  	_ =	shalt  }
0x7a: {  	_ =	shalt  }
0x7b: {  	_ =	shalt  }
0x7c: {  	_ =	shalt  }
0x7d: {  	_ =	shalt  }
0x7e: {  	_ =	shalt  }
0x7f: {  	_ =	shalt  }
0x80: {  	_ =	shalt  }
0x81: {  	_ =	shalt  }
0x82: {  	_ =	shalt  }
0x83: {  	_ =	shalt  }
0x84: {  	_ =	shalt  }
0x85: {  	_ =	shalt  }
0x86: {  	_ =	shalt  }
0x87: {  	_ =	shalt  }
.Lfunc_end0:
.L_simem_size_0:
called_computation.1_lowered:
.L_overlay_start_0:
0x88: {  	s2 =	sld [smem:$0x3FD9]  }
0x89: {  	s3 =	sld [smem:$0x3FFE];
	_ =	sdelay $0x1  }
0x8a: {  	s1 =	srdreg.scid  }
0x8b: {  	s0 =	sand.u32 $0x1, s1  }
0x8c: {  	s17 =	sshll.u32 s0, $0xA;
	s2 =	sadd.s32 s3, s2  }
0x8d: {  	s2 =	sadd.s32 s2, s17  }
0x8e: {  	[smem:$0x3FC6] =	sst s2  }
0x8f: {  	_ = 	snop  }
0x90: {  	s2 =	sld [smem:$0x3FC9]  }
0x91: {  	s18 =	sld [smem:$0x3FD0];
	(tm) =	ssettm $0x1  }
0x92: {  	s4 =	sld [smem:$0x3FFB];
	_ =	sdelay $0x3  }
0x93: {  	_ =	strace s4  }
0x94: {  	s4 =	sld [smem:$0x3FFC];
	_ =	sdelay $0x3  }
0x95: {  	_ =	strace s4  }
0x96: {  	s4 =	sld [smem:$0x3FFD];
	_ =	sdelay $0x3  }
0x97: {  	_ =	strace s4  }
0x98: {  	_ =	strace $0x8FFFFFFF  }
0x99: {  	s19 =	sld [smem:$0x3FDB];
	_ =	sdelay $0x1  }
0x9a: {  	s5 =	simm.s32 $_scs_section_size  }
0x9b: {  	s6 =	simm.s32 $_size__tile_overlayer_lowered;
	s7 =	simm.s32 $_tile_overlayer_lowered  }
0x9c: {  	s22 =	simm.s32 $0x1BFF;
	s21 =	sshll.u32 s7, $0x1;
	s4 =	sadd.s32 s5, s19  }
0x9d: {  	s8 =	simm.s32 $0x0;
	s20 =	sshll.u32 s6, $0x1;
	s6 =	sadd.s32 s21, s4  }
0x9e: {  	[timem:s8], [sflag:s22] =	dma.local [hbm:s6], s20  }
0x9f: {  	_ =	swait.ge [sflag:s22], s20  }
0xa0: {  	s5 =	ssub.s32 $0x0, s20;
	[sflag:s22] =	ssyncset.done $0x0  }
0xa1: {  	[sflag:s22] =	ssyncadd.s32 s5;
	_ =	sdelay $0x1  }
0xa2: {  	s23 =	simm.s32 $0x1B8B  }
0xa3: {  	_ =	swait.ge [sflag:s23], $0x1  }
0xa4: {  	[sflag:s23] =	ssyncset.done $0x0  }
0xa5: {  	s25 =	simm.s32 $0x1B8E;
	s24 =	sld [smem:$0x3FFE];
	[sflag:s23] =	ssyncadd.s32 $0xFFFFFFFF  }
0xa6: {  	s26 =	simm.s32 $execute0_lowered;
	[smem:$0x3FD2] =	sst s25  }
0xa7: {  	s6 =	sshll.u32 s26, $0x1;
	_ =	strace $0x80000046;
	[dreg:$0x1] =	wrdreg $0xFFFFFFFF  }
0xa8: {  	s28 =	simm.s32 $_size_execute0_lowered;
	s4 =	sadd.s32 s4, s6;
	[dreg:$0x0] =	wrdreg $0x0  }
0xa9: {  	s6 =	sshll.u32 s28, $0x1;
	[dreg:$0x2] =	wrdreg s4  }
0xaa: {  	[dreg:$0x3] =	wrdreg s6  }
0xab: {  	[dreg:$0x4] =	wrdreg $0xC0  }
0xac: {  	_ =	task [dreg:s8], $0x5FFFF  }
0xad: {  	[dreg:$0x1] =	wrdreg $0xFFFFFFFF  }
0xae: {  	[dreg:$0x0] =	wrdreg $0x60  }
0xaf: {  	[dreg:$0x2] =	wrdreg s2  }
0xb0: {  	[dreg:$0x3] =	wrdreg s24  }
0xb1: {  	[dreg:$0x4] =	wrdreg s18  }
0xb2: {  	[dreg:$0x5] =	wrdreg $0x9  }
0xb3: {  	_ =	task.clear_ibuf [dreg:s8], $0x6FFFF;
	_ =	strace $0x90000046  }
0xb4: {  	s29 =	simm.s32 $0x9;
	_ =	strace $0x80000048  }
0xb5: {  	_ =	swait.ge [sflag:s29], $0x1  }
0xb6: {  	[sflag:s29] =	ssyncadd.s32 $0xFFFFFFFF  }
0xb7: {  	_ =	strace $0x90000048  }
0xb8: {  	_ =	sfence  }
0xb9: {  	s30 =	sld [smem:$0x0];
	_ =	sdelay $0x2  }
0xba: {  	s31 =	sshll.u32 s1, $0xD;
	s1 =	sshrl.u32 s1, $0x2  }
0xbb: {  	s3 =	sand.u32 $0x4000, s31;
	s1 =	sadd.s32 s1, s30  }
0xbc: {  	s0 =	sor.u32 s3, s0;
	s1 =	sshll.u32 s1, $0x11  }
0xbd: {  	s0 =	sor.u32 s1, s0  }
0xbe: {  	s0 =	sadd.s32 $0x8F2B, s0  }
0xbf: {  	[sflag:s0] =	ssyncadd.remote.s32 $0x1  }
0xc0: {  	_ =	sfence.sel $0xFFFF  }
0xc1: {  	[dreg:$0x0] =	wrdreg $0xFFFFFFFF;
	(pc) =	sbr.abs _section_cstart, $3  }
0xc2: {  	[dreg:$0x1] =	wrdreg $0xFFFFFFFF  }
0xc3: {  	_ =	task.clear_ibuf [dreg:s8], $0x2FFFF;
	_ =	strace $0x9FFFFFFF  }
0xc4: {  	(tm) =	ssettm $0x7FFFFFFF  }
0xc5: {  	_ =	shalt  }
tec
execute0_lowered:
.L_overlay_start_1:
0x0: {  	(tag) =	ssettag $0x1  }
0x1: {  	s0 =	rddreg [dreg:$0x0]  }
0x2: {  	s2 =	srdreg.scid;
	s10 =	stileid.u32  }
0x3: {  	s1 =	rddreg [dreg:$0x1];
	s2 =	sand.u32 $0x1, s2;
	s4 =	sshll.u32 s10, $0x1  }
0x4: {  	s23 =	rddreg [dreg:$0x2];
	s3 =	simm.s32 $0x0;
	s5 =	sor.u32 s2, s4  }
0x5: {  	[smem:$0x7FF] =	sst s3;
	s6 =	ssub.s32 $0x2, s2;
	s9 =	smul.u32 $0x32000, s5  }
0x6: {  	_ =	strace $0x80000047;
	s7 =	smul.u32 $0x6400, s5;
	s8 =	sshrl.u32 s6, $0x1  }
0x7: {  	s4 =	sadd.s32 $0xF42C00, s1;
	s1 =	ssub.s32 s6, s8;
	s22 =	sadd.s32 s23, s9  }
0x8: {  	s21 =	sshrl.u32 s7, $0x3;
	s1 =	smax.u32 s1, $0x1;
	[dreg:$0xc] =	wrdreg s22  }
0x9: {  	s0 =	sadd.s32 s0, s21;
	[dreg:$0x1c] =	wrdreg s1  }
0xa: {  	s25 =	sadd.s32 $0x400, s22;
	[dreg:$0xb] =	wrdreg s0  }
0xb: {  	s26 =	sadd.s32 $0x800, s22;
	[dreg:$0xd] =	wrdreg s25  }
0xc: {  	s30 =	smul.u32 $0xC800, s10;
	s28 =	sadd.s32 $0xC00, s22;
	[dreg:$0xe] =	wrdreg s26  }
0xd: {  	s11 =	smul.u32 $0x6400, s2;
	s29 =	sadd.s32 $0x1000, s22;
	[dreg:$0xf] =	wrdreg s28  }
0xe: {  	s24 =	smul.u32 $0x190000, s5;
	s9 =	sadd.s32 $0x1400, s22;
	[dreg:$0x10] =	wrdreg s29  }
0xf: {  	s5 =	sadd.s32 s11, s30;
	s12 =	sadd.s32 $0x1800, s22;
	[dreg:$0x11] =	wrdreg s9  }
0x10: {  	s5 =	sshll.u32 s5, $0x3;
	s7 =	sadd.s32 $0x1C00, s22;
	[dreg:$0x12] =	wrdreg s12  }
0x11: {  	s19 =	sadd.s32 $0x3400, s5;
	[dreg:$0x13] =	wrdreg s7  }
0x12: {  	s21 =	sadd.s32 $0x3000, s5;
	[dreg:$0x4] =	wrdreg s19  }
0x13: {  	s17 =	smul.u32 $0x320000, s10;
	s22 =	sadd.s32 $0x2C00, s5;
	[dreg:$0x5] =	wrdreg s21  }
0x14: {  	s2 =	smul.u32 $0x190000, s2;
	s30 =	sadd.s32 $0x3800, s5;
	[dreg:$0x6] =	wrdreg s22  }
0x15: {  	s25 =	sadd.s32 $0x2800, s5;
	[dreg:$0xa] =	wrdreg s30  }
0x16: {  	s2 =	sadd.s32 s2, s17;
	s26 =	sadd.s32 $0x2400, s5;
	[dreg:$0x7] =	wrdreg s25  }
0x17: {  	s0 =	sshrl.u32 s24, $0x3;
	s29 =	sadd.s32 $0x10000, s2;
	[dreg:$0x8] =	wrdreg s26  }
0x18: {  	s28 =	sadd.s32 $0x3C00, s5;
	s0 =	sadd.s32 s23, s0;
	[dreg:$0x1d] =	wrdreg s29  }
0x19: {  	s31 =	simm.s32 $0x10400;
	[dreg:$0x9] =	wrdreg s28;
	s13 =	sadd.s32 $0x30000, s0  }
0x1a: {  	s10 =	simm.s32 $0x9;
	s14 =	sadd.s32 $0x30400, s0;
	[dreg:$0x14] =	wrdreg s13  }
0x1b: {  	s11 =	simm.s32 $0x4;
	s15 =	sadd.s32 $0x30800, s0;
	[dreg:$0x15] =	wrdreg s14  }
0x1c: {  	s17 =	simm.s32 $0x7;
	s16 =	sadd.s32 $0x30C00, s0;
	[dreg:$0x16] =	wrdreg s15  }
0x1d: {  	s12 =	simm.s32 $0xA;
	s18 =	sadd.s32 $0x31000, s0;
	[dreg:$0x17] =	wrdreg s16  }
0x1e: {  	s19 =	simm.s32 $0x8;
	s20 =	sadd.s32 $0x31400, s0;
	[dreg:$0x18] =	wrdreg s18  }
0x1f: {  	s21 =	simm.s32 $0xF;
	s24 =	sadd.s32 $0x31800, s0;
	[dreg:$0x19] =	wrdreg s20  }
0x20: {  	s22 =	simm.s32 $0x10;
	s0 =	sadd.s32 $0x31C00, s0;
	[dreg:$0x1a] =	wrdreg s24  }
0x21: {  	s25 =	simm.s32 $0x80;
	[dreg:$0x1b] =	wrdreg s0;
	s13 =	simm.s32 $0x5  }
0x22: {  	s14 =	simm.s32 $0xB;
	s15 =	simm.s32 $0x6;
	s16 =	simm.s32 $0xC  }
0x23: {  	s18 =	simm.s32 $0xD;
	s20 =	simm.s32 $0xE;
	s0 =	simm.s32 $0x0  }
.LBB2_1:
0x24: {  	[dreg:$0x1e] =	wrdreg s0  }
0x25: {  	s2 =	rddreg [dreg:$0xb];
	s5 =	simm.s32 $0x11  }
0x26: {  	[tilespmem:s3], [sflag:$0x11] =	stream.linear.gather [hbm4b:s2+s3], $0x6400, $0x38;
	[tilespmem:$0x16400] =	vst v63  }
0x27: {  	_ =	swait.ge [sflag:s5], $0x6400  }
0x28: {  	[sflag:s5] =	ssyncset.done $0x0  }
0x29: {  	s24 =	simm.s32 $0x6400;
	[sflag:s5] =	ssyncadd.s32 $0xFFFF9C00  }
0x2a: {  	[tilespmem:s24], [sflag:$0x1] =	stream.indirect.gather [hbm4b:s4+s25], $0x40, s3, s25, $0xb8;
	[tilespmem:$0x16400] =	vst v63  }
0x2b: {  	s1 =	simm.s32 $0x8400  }
0x2c: {  	[tilespmem:s1], [sflag:$0x2] =	stream.indirect.gather [hbm4b:s4+s25], $0x40, s25, s25, $0xb8;
	[tilespmem:$0x16400] =	vst v63  }
0x2d: {  	s6 =	simm.s32 $0x100;
	s26 =	simm.s32 $0xA400  }
0x2e: {  	[tilespmem:s26], [sflag:$0x3] =	stream.indirect.gather [hbm4b:s4+s25], $0x40, s6, s25, $0xb8;
	[tilespmem:$0x16400] =	vst v63  }
0x2f: {  	s7 =	simm.s32 $0x180;
	s28 =	simm.s32 $0xC400  }
0x30: {  	[tilespmem:s28], [sflag:$0x4] =	stream.indirect.gather [hbm4b:s4+s25], $0x40, s7, s25, $0xb8;
	[tilespmem:$0x16400] =	vst v63  }
0x31: {  	s8 =	simm.s32 $0x200;
	s5 =	simm.s32 $0xE400  }
0x32: {  	[tilespmem:s5], [sflag:$0x5] =	stream.indirect.gather [hbm4b:s4+s25], $0x40, s8, s25, $0xb8;
	[tilespmem:$0x16400] =	vst v63  }
0x33: {  	s9 =	simm.s32 $0x280;
	s0 =	simm.s32 $0x1;
	s8 =	simm.s32 $0x10400  }
0x34: {  	[tilespmem:s8], [sflag:$0x6] =	stream.indirect.gather [hbm4b:s4+s25], $0x40, s9, s25, $0xb8;
	[tilespmem:$0x16400] =	vst v63  }
0x35: {  	_ =	swait.ge [sflag:s0], $0x2000  }
0x36: {  	[sflag:s0] =	ssyncset.done $0x0  }
0x37: {  	s29 =	rddreg [dreg:$0xc];
	[sflag:s0] =	ssyncadd.s32 $0xFFFFE000  }
0x38: {  	[hbm4b:s29+s3] =	stream.linear.scatter [tilespmem:s24], [sflag:$0x9], $0x2000, $0x38;
	[tilespmem:$0x16400] =	vst v63  }
0x39: {  	s30 =	simm.s32 $0x300;
	s7 =	simm.s32 $0x2;
	s29 =	simm.s32 $0x12400  }
0x3a: {  	[tilespmem:s29], [sflag:$0x7] =	stream.indirect.gather [hbm4b:s4+s25], $0x40, s30, s25, $0xb8;
	[tilespmem:$0x16400] =	vst v63  }
0x3b: {  	_ =	swait.ge [sflag:s7], $0x2000  }
0x3c: {  	[sflag:s7] =	ssyncset.done $0x0  }
0x3d: {  	s6 =	rddreg [dreg:$0xd];
	[sflag:s7] =	ssyncadd.s32 $0xFFFFE000  }
0x3e: {  	[hbm4b:s6+s3] =	stream.linear.scatter [tilespmem:s1], [sflag:$0xA], $0x2000, $0x38;
	[tilespmem:$0x16400] =	vst v63  }
0x3f: {  	s9 =	simm.s32 $0x380;
	s30 =	simm.s32 $0x14400  }
0x40: {  	[tilespmem:s30], [sflag:$0x8] =	stream.indirect.gather [hbm4b:s4+s25], $0x40, s9, s25, $0xb8;
	[tilespmem:$0x16400] =	vst v63  }
0x41: {  	s9 =	simm.s32 $0x3  }
0x42: {  	_ =	swait.ge [sflag:s9], $0x2000  }
0x43: {  	[sflag:s9] =	ssyncset.done $0x0  }
0x44: {  	s6 =	rddreg [dreg:$0xe];
	[sflag:s9] =	ssyncadd.s32 $0xFFFFE000  }
0x45: {  	[hbm4b:s6+s3] =	stream.linear.scatter [tilespmem:s26], [sflag:$0xB], $0x2000, $0x38;
	[tilespmem:$0x16400] =	vst v63  }
0x46: {  	_ =	swait.ge [sflag:s10], $0x2000  }
0x47: {  	[sflag:s10] =	ssyncset.done $0x0  }
0x48: {  	s6 =	simm.s32 $0x400;
	[sflag:s10] =	ssyncadd.s32 $0xFFFFE000  }
0x49: {  	[tilespmem:s24], [sflag:$0x1] =	stream.indirect.gather [hbm4b:s4+s25], $0x40, s6, s25, $0xb8;
	[tilespmem:$0x16400] =	vst v63  }
0x4a: {  	_ =	swait.ge [sflag:s11], $0x2000  }
0x4b: {  	[sflag:s11] =	ssyncset.done $0x0  }
0x4c: {  	s6 =	rddreg [dreg:$0xf];
	[sflag:s11] =	ssyncadd.s32 $0xFFFFE000  }
0x4d: {  	[hbm4b:s6+s3] =	stream.linear.scatter [tilespmem:s28], [sflag:$0xC], $0x2000, $0x38;
	[tilespmem:$0x16400] =	vst v63  }
0x4e: {  	_ =	swait.ge [sflag:s12], $0x2000  }
0x4f: {  	[sflag:s12] =	ssyncset.done $0x0  }
0x50: {  	s6 =	simm.s32 $0x480;
	[sflag:s12] =	ssyncadd.s32 $0xFFFFE000  }
0x51: {  	[tilespmem:s1], [sflag:$0x2] =	stream.indirect.gather [hbm4b:s4+s25], $0x40, s6, s25, $0xb8;
	[tilespmem:$0x16400] =	vst v63  }
0x52: {  	_ =	swait.ge [sflag:s13], $0x2000  }
0x53: {  	[sflag:s13] =	ssyncset.done $0x0  }
0x54: {  	s6 =	rddreg [dreg:$0x10];
	[sflag:s13] =	ssyncadd.s32 $0xFFFFE000  }
0x55: {  	[hbm4b:s6+s3] =	stream.linear.scatter [tilespmem:s5], [sflag:$0xD], $0x2000, $0x38;
	[tilespmem:$0x16400] =	vst v63  }
0x56: {  	_ =	swait.ge [sflag:s14], $0x2000  }
0x57: {  	[sflag:s14] =	ssyncset.done $0x0  }
0x58: {  	s6 =	simm.s32 $0x500;
	[sflag:s14] =	ssyncadd.s32 $0xFFFFE000  }
0x59: {  	[tilespmem:s26], [sflag:$0x3] =	stream.indirect.gather [hbm4b:s4+s25], $0x40, s6, s25, $0xb8;
	[tilespmem:$0x16400] =	vst v63  }
0x5a: {  	_ =	swait.ge [sflag:s15], $0x2000  }
0x5b: {  	[sflag:s15] =	ssyncset.done $0x0  }
0x5c: {  	s6 =	rddreg [dreg:$0x11];
	[sflag:s15] =	ssyncadd.s32 $0xFFFFE000  }
0x5d: {  	[hbm4b:s6+s3] =	stream.linear.scatter [tilespmem:s8], [sflag:$0xE], $0x2000, $0x38;
	[tilespmem:$0x16400] =	vst v63  }
0x5e: {  	_ =	swait.ge [sflag:s16], $0x2000  }
0x5f: {  	[sflag:s16] =	ssyncset.done $0x0  }
0x60: {  	s6 =	simm.s32 $0x580;
	[sflag:s16] =	ssyncadd.s32 $0xFFFFE000  }
0x61: {  	[tilespmem:s28], [sflag:$0x4] =	stream.indirect.gather [hbm4b:s4+s25], $0x40, s6, s25, $0xb8;
	[tilespmem:$0x16400] =	vst v63  }
0x62: {  	_ =	swait.ge [sflag:s17], $0x2000  }
0x63: {  	[sflag:s17] =	ssyncset.done $0x0  }
0x64: {  	s6 =	rddreg [dreg:$0x12];
	[sflag:s17] =	ssyncadd.s32 $0xFFFFE000  }
0x65: {  	[hbm4b:s6+s3] =	stream.linear.scatter [tilespmem:s29], [sflag:$0xF], $0x2000, $0x38;
	[tilespmem:$0x16400] =	vst v63  }
0x66: {  	_ =	swait.ge [sflag:s18], $0x2000  }
0x67: {  	[sflag:s18] =	ssyncset.done $0x0  }
0x68: {  	s6 =	simm.s32 $0x600;
	[sflag:s18] =	ssyncadd.s32 $0xFFFFE000  }
0x69: {  	[tilespmem:s5], [sflag:$0x5] =	stream.indirect.gather [hbm4b:s4+s25], $0x40, s6, s25, $0xb8;
	[tilespmem:$0x16400] =	vst v63  }
0x6a: {  	_ =	swait.ge [sflag:s19], $0x2000  }
0x6b: {  	[sflag:s19] =	ssyncset.done $0x0  }
0x6c: {  	s6 =	rddreg [dreg:$0x13];
	[sflag:s19] =	ssyncadd.s32 $0xFFFFE000  }
0x6d: {  	[hbm4b:s6+s3] =	stream.linear.scatter [tilespmem:s30], [sflag:$0x10], $0x2000, $0x38;
	[tilespmem:$0x16400] =	vst v63  }
0x6e: {  	_ =	swait.ge [sflag:s20], $0x2000  }
0x6f: {  	[sflag:s20] =	ssyncset.done $0x0  }
0x70: {  	s6 =	simm.s32 $0x680;
	[sflag:s20] =	ssyncadd.s32 $0xFFFFE000  }
0x71: {  	[tilespmem:s8], [sflag:$0x6] =	stream.indirect.gather [hbm4b:s4+s25], $0x40, s6, s25, $0xb8;
	[tilespmem:$0x16400] =	vst v63  }
0x72: {  	_ =	swait.ge [sflag:s0], $0x2000  }
0x73: {  	s6 =	rddreg [dreg:$0x1d]  }
0x74: {  	[sflag:s0] =	ssyncset.done $0x0;
	s2 =	sshrl.u32 s6, $0x3  }
0x75: {  	[sflag:s0] =	ssyncadd.s32 $0xFFFFE000;
	s2 =	sadd.s32 s23, s2  }
0x76: {  	[hbm4b:s2+s3] =	stream.linear.scatter [tilespmem:s24], [sflag:$0x9], $0x2000, $0x38;
	[tilespmem:$0x16400] =	vst v63  }
0x77: {  	_ =	swait.ge [sflag:s21], $0x2000  }
0x78: {  	[sflag:s21] =	ssyncset.done $0x0  }
0x79: {  	s0 =	simm.s32 $0x700;
	[sflag:s21] =	ssyncadd.s32 $0xFFFFE000  }
0x7a: {  	[tilespmem:s29], [sflag:$0x7] =	stream.indirect.gather [hbm4b:s4+s25], $0x40, s0, s25, $0xb8;
	[tilespmem:$0x16400] =	vst v63  }
0x7b: {  	_ =	swait.ge [sflag:s7], $0x2000  }
0x7c: {  	s0 =	rddreg [dreg:$0x8];
	[sflag:s7] =	ssyncset.done $0x0  }
0x7d: {  	[sflag:s7] =	ssyncadd.s32 $0xFFFFE000;
	s2 =	sadd.s32 s23, s0  }
0x7e: {  	[hbm4b:s2+s3] =	stream.linear.scatter [tilespmem:s1], [sflag:$0xA], $0x2000, $0x38;
	[tilespmem:$0x16400] =	vst v63  }
0x7f: {  	_ =	swait.ge [sflag:s22], $0x2000  }
0x80: {  	[sflag:s22] =	ssyncset.done $0x0  }
0x81: {  	s7 =	simm.s32 $0x780;
	[sflag:s22] =	ssyncadd.s32 $0xFFFFE000  }
0x82: {  	[tilespmem:s30], [sflag:$0x8] =	stream.indirect.gather [hbm4b:s4+s25], $0x40, s7, s25, $0xb8;
	[tilespmem:$0x16400] =	vst v63  }
0x83: {  	_ =	swait.ge [sflag:s9], $0x2000  }
0x84: {  	s0 =	rddreg [dreg:$0x7];
	[sflag:s9] =	ssyncset.done $0x0  }
0x85: {  	[sflag:s9] =	ssyncadd.s32 $0xFFFFE000;
	s2 =	sadd.s32 s23, s0  }
0x86: {  	[hbm4b:s2+s3] =	stream.linear.scatter [tilespmem:s26], [sflag:$0xB], $0x2000, $0x38;
	[tilespmem:$0x16400] =	vst v63  }
0x87: {  	_ =	swait.ge [sflag:s10], $0x2000  }
0x88: {  	[sflag:s10] =	ssyncset.done $0x0  }
0x89: {  	s7 =	simm.s32 $0x800;
	[sflag:s10] =	ssyncadd.s32 $0xFFFFE000  }
0x8a: {  	[tilespmem:s24], [sflag:$0x1] =	stream.indirect.gather [hbm4b:s4+s25], $0x40, s7, s25, $0xb8;
	[tilespmem:$0x16400] =	vst v63  }
0x8b: {  	_ =	swait.ge [sflag:s11], $0x2000  }
0x8c: {  	s9 =	rddreg [dreg:$0x6];
	[sflag:s11] =	ssyncset.done $0x0  }
0x8d: {  	[sflag:s11] =	ssyncadd.s32 $0xFFFFE000;
	s2 =	sadd.s32 s23, s9  }
0x8e: {  	[hbm4b:s2+s3] =	stream.linear.scatter [tilespmem:s28], [sflag:$0xC], $0x2000, $0x38;
	[tilespmem:$0x16400] =	vst v63  }
0x8f: {  	_ =	swait.ge [sflag:s12], $0x2000  }
0x90: {  	[sflag:s12] =	ssyncset.done $0x0  }
0x91: {  	s24 =	simm.s32 $0x880;
	[sflag:s12] =	ssyncadd.s32 $0xFFFFE000  }
0x92: {  	[tilespmem:s1], [sflag:$0x2] =	stream.indirect.gather [hbm4b:s4+s25], $0x40, s24, s25, $0xb8;
	[tilespmem:$0x16400] =	vst v63  }
0x93: {  	_ =	swait.ge [sflag:s13], $0x2000  }
0x94: {  	s0 =	rddreg [dreg:$0x5];
	[sflag:s13] =	ssyncset.done $0x0  }
0x95: {  	[sflag:s13] =	ssyncadd.s32 $0xFFFFE000;
	s2 =	sadd.s32 s23, s0  }
0x96: {  	[hbm4b:s2+s3] =	stream.linear.scatter [tilespmem:s5], [sflag:$0xD], $0x2000, $0x38;
	[tilespmem:$0x16400] =	vst v63  }
0x97: {  	_ =	swait.ge [sflag:s14], $0x2000  }
0x98: {  	[sflag:s14] =	ssyncset.done $0x0  }
0x99: {  	s1 =	simm.s32 $0x900;
	[sflag:s14] =	ssyncadd.s32 $0xFFFFE000  }
0x9a: {  	[tilespmem:s26], [sflag:$0x3] =	stream.indirect.gather [hbm4b:s4+s25], $0x40, s1, s25, $0xb8;
	[tilespmem:$0x16400] =	vst v63  }
0x9b: {  	_ =	swait.ge [sflag:s15], $0x2000  }
0x9c: {  	s7 =	rddreg [dreg:$0x4];
	[sflag:s15] =	ssyncset.done $0x0  }
0x9d: {  	[sflag:s15] =	ssyncadd.s32 $0xFFFFE000;
	s2 =	sadd.s32 s23, s7  }
0x9e: {  	[hbm4b:s2+s3] =	stream.linear.scatter [tilespmem:s8], [sflag:$0xE], $0x2000, $0x38;
	[tilespmem:$0x16400] =	vst v63  }
0x9f: {  	_ =	swait.ge [sflag:s16], $0x2000  }
0xa0: {  	[sflag:s16] =	ssyncset.done $0x0  }
0xa1: {  	s9 =	simm.s32 $0x980;
	[sflag:s16] =	ssyncadd.s32 $0xFFFFE000  }
0xa2: {  	[tilespmem:s28], [sflag:$0x4] =	stream.indirect.gather [hbm4b:s4+s25], $0x40, s9, s25, $0xb8;
	[tilespmem:$0x16400] =	vst v63  }
0xa3: {  	_ =	swait.ge [sflag:s17], $0x2000  }
0xa4: {  	s24 =	rddreg [dreg:$0xa];
	[sflag:s17] =	ssyncset.done $0x0  }
0xa5: {  	[sflag:s17] =	ssyncadd.s32 $0xFFFFE000;
	s2 =	sadd.s32 s23, s24  }
0xa6: {  	[hbm4b:s2+s3] =	stream.linear.scatter [tilespmem:s29], [sflag:$0xF], $0x2000, $0x38;
	[tilespmem:$0x16400] =	vst v63  }
0xa7: {  	_ =	swait.ge [sflag:s18], $0x2000  }
0xa8: {  	[sflag:s18] =	ssyncset.done $0x0  }
0xa9: {  	s26 =	simm.s32 $0xA00;
	[sflag:s18] =	ssyncadd.s32 $0xFFFFE000  }
0xaa: {  	[tilespmem:s5], [sflag:$0x5] =	stream.indirect.gather [hbm4b:s4+s25], $0x40, s26, s25, $0xb8;
	[tilespmem:$0x16400] =	vst v63  }
0xab: {  	_ =	swait.ge [sflag:s19], $0x2000  }
0xac: {  	s29 =	rddreg [dreg:$0x9];
	[sflag:s19] =	ssyncset.done $0x0  }
0xad: {  	[sflag:s19] =	ssyncadd.s32 $0xFFFFE000;
	s2 =	sadd.s32 s23, s29  }
0xae: {  	[hbm4b:s2+s3] =	stream.linear.scatter [tilespmem:s30], [sflag:$0x10], $0x2000, $0x38;
	[tilespmem:$0x16400] =	vst v63  }
0xaf: {  	s6 =	sadd.s32 $0x10000, s6;
	_ =	swait.ge [sflag:s20], $0x2000  }
0xb0: {  	s28 =	smov.u32 s23;
	s24 =	simm.s32 $0x1000;
	[sflag:s20] =	ssyncset.done $0x0  }
0xb1: {  	s23 =	sadd.s32 $0x2000, s23;
	s2 =	simm.s32 $0xA80;
	[sflag:s20] =	ssyncadd.s32 $0xFFFFE000  }
.LBB2_2:
0xb2: {  	[tilespmem:s31], [sflag:$0x6] =	stream.indirect.gather [hbm4b:s4+s25], $0x40, s2, s25, $0xb8;
	[tilespmem:$0x16400] =	vst v63  }
0xb3: {  	s0 =	simm.s32 $0x1  }
0xb4: {  	_ =	swait.ge [sflag:s0], $0x2000  }
0xb5: {  	s26 =	sshrl.u32 s6, $0x3;
	[sflag:s0] =	ssyncset.done $0x0  }
0xb6: {  	s1 =	simm.s32 $0x6400;
	s26 =	sadd.s32 s28, s26;
	[sflag:s0] =	ssyncadd.s32 $0xFFFFE000  }
0xb7: {  	[hbm4b:s26+s3] =	stream.linear.scatter [tilespmem:s1], [sflag:$0x9], $0x2000, $0x38;
	[tilespmem:$0x16400] =	vst v63  }
0xb8: {  	s8 =	smov.u32 s24;
	_ =	swait.ge [sflag:s21], $0x2000  }
0xb9: {  	s7 =	simm.s32 $0x12400;
	s2 =	sshra.s32 s8, $0x2;
	[sflag:s21] =	ssyncset.done $0x0  }
0xba: {  	s9 =	sadd.s32 $0x700, s2;
	s26 =	simm.s32 $0x2;
	[sflag:s21] =	ssyncadd.s32 $0xFFFFE000  }
0xbb: {  	[tilespmem:s7], [sflag:$0x7] =	stream.indirect.gather [hbm4b:s4+s25], $0x40, s9, s25, $0xb8;
	[tilespmem:$0x16400] =	vst v63  }
0xbc: {  	_ =	swait.ge [sflag:s26], $0x2000  }
0xbd: {  	s5 =	rddreg [dreg:$0x8];
	[sflag:s26] =	ssyncset.done $0x0  }
0xbe: {  	s29 =	simm.s32 $0x8400;
	[sflag:s26] =	ssyncadd.s32 $0xFFFFE000;
	s26 =	sadd.s32 s23, s5  }
0xbf: {  	[hbm4b:s26+s3] =	stream.linear.scatter [tilespmem:s29], [sflag:$0xA], $0x2000, $0x38;
	[tilespmem:$0x16400] =	vst v63  }
0xc0: {  	_ =	swait.ge [sflag:s22], $0x2000  }
0xc1: {  	s8 =	sadd.s32 $0x780, s2;
	[sflag:s22] =	ssyncset.done $0x0  }
0xc2: {  	s9 =	simm.s32 $0x14400;
	s26 =	simm.s32 $0x3;
	[sflag:s22] =	ssyncadd.s32 $0xFFFFE000  }
0xc3: {  	[tilespmem:s9], [sflag:$0x8] =	stream.indirect.gather [hbm4b:s4+s25], $0x40, s8, s25, $0xb8;
	[tilespmem:$0x16400] =	vst v63  }
0xc4: {  	_ =	swait.ge [sflag:s26], $0x2000  }
0xc5: {  	s5 =	rddreg [dreg:$0x7];
	[sflag:s26] =	ssyncset.done $0x0  }
0xc6: {  	s0 =	simm.s32 $0xA400;
	[sflag:s26] =	ssyncadd.s32 $0xFFFFE000;
	s26 =	sadd.s32 s23, s5  }
0xc7: {  	[hbm4b:s26+s3] =	stream.linear.scatter [tilespmem:s0], [sflag:$0xB], $0x2000, $0x38;
	[tilespmem:$0x16400] =	vst v63  }
0xc8: {  	_ =	swait.ge [sflag:s10], $0x2000  }
0xc9: {  	[sflag:s10] =	ssyncset.done $0x0  }
0xca: {  	s8 =	sadd.s32 $0x800, s2;
	[sflag:s10] =	ssyncadd.s32 $0xFFFFE000  }
0xcb: {  	[tilespmem:s1], [sflag:$0x1] =	stream.indirect.gather [hbm4b:s4+s25], $0x40, s8, s25, $0xb8;
	[tilespmem:$0x16400] =	vst v63  }
0xcc: {  	_ =	swait.ge [sflag:s11], $0x2000  }
0xcd: {  	s5 =	rddreg [dreg:$0x6];
	[sflag:s11] =	ssyncset.done $0x0  }
0xce: {  	[sflag:s11] =	ssyncadd.s32 $0xFFFFE000;
	s26 =	sadd.s32 s23, s5;
	s5 =	simm.s32 $0xC400  }
0xcf: {  	[hbm4b:s26+s3] =	stream.linear.scatter [tilespmem:s5], [sflag:$0xC], $0x2000, $0x38;
	[tilespmem:$0x16400] =	vst v63  }
0xd0: {  	_ =	swait.ge [sflag:s12], $0x2000  }
0xd1: {  	[sflag:s12] =	ssyncset.done $0x0  }
0xd2: {  	s8 =	sadd.s32 $0x880, s2;
	[sflag:s12] =	ssyncadd.s32 $0xFFFFE000  }
0xd3: {  	[tilespmem:s29], [sflag:$0x2] =	stream.indirect.gather [hbm4b:s4+s25], $0x40, s8, s25, $0xb8;
	[tilespmem:$0x16400] =	vst v63  }
0xd4: {  	_ =	swait.ge [sflag:s13], $0x2000  }
0xd5: {  	s8 =	rddreg [dreg:$0x5];
	[sflag:s13] =	ssyncset.done $0x0  }
0xd6: {  	[sflag:s13] =	ssyncadd.s32 $0xFFFFE000;
	s26 =	sadd.s32 s23, s8;
	s8 =	simm.s32 $0xE400  }
0xd7: {  	[hbm4b:s26+s3] =	stream.linear.scatter [tilespmem:s8], [sflag:$0xD], $0x2000, $0x38;
	[tilespmem:$0x16400] =	vst v63  }
0xd8: {  	_ =	swait.ge [sflag:s14], $0x2000  }
0xd9: {  	[sflag:s14] =	ssyncset.done $0x0  }
0xda: {  	s26 =	sadd.s32 $0x900, s2;
	[sflag:s14] =	ssyncadd.s32 $0xFFFFE000  }
0xdb: {  	[tilespmem:s0], [sflag:$0x3] =	stream.indirect.gather [hbm4b:s4+s25], $0x40, s26, s25, $0xb8;
	[tilespmem:$0x16400] =	vst v63  }
0xdc: {  	_ =	swait.ge [sflag:s15], $0x2000  }
0xdd: {  	s0 =	rddreg [dreg:$0x4];
	[sflag:s15] =	ssyncset.done $0x0  }
0xde: {  	[sflag:s15] =	ssyncadd.s32 $0xFFFFE000;
	s26 =	sadd.s32 s23, s0  }
0xdf: {  	[hbm4b:s26+s3] =	stream.linear.scatter [tilespmem:s31], [sflag:$0xE], $0x2000, $0x38;
	[tilespmem:$0x16400] =	vst v63  }
0xe0: {  	_ =	swait.ge [sflag:s16], $0x2000  }
0xe1: {  	[sflag:s16] =	ssyncset.done $0x0  }
0xe2: {  	s26 =	sadd.s32 $0x980, s2;
	[sflag:s16] =	ssyncadd.s32 $0xFFFFE000  }
0xe3: {  	[tilespmem:s5], [sflag:$0x4] =	stream.indirect.gather [hbm4b:s4+s25], $0x40, s26, s25, $0xb8;
	[tilespmem:$0x16400] =	vst v63  }
0xe4: {  	_ =	swait.ge [sflag:s17], $0x2000  }
0xe5: {  	s5 =	rddreg [dreg:$0xa];
	[sflag:s17] =	ssyncset.done $0x0  }
0xe6: {  	[sflag:s17] =	ssyncadd.s32 $0xFFFFE000;
	s26 =	sadd.s32 s23, s5  }
0xe7: {  	[hbm4b:s26+s3] =	stream.linear.scatter [tilespmem:s7], [sflag:$0xF], $0x2000, $0x38;
	[tilespmem:$0x16400] =	vst v63  }
0xe8: {  	_ =	swait.ge [sflag:s18], $0x2000  }
0xe9: {  	[sflag:s18] =	ssyncset.done $0x0  }
0xea: {  	p0 =	sne.s32 s24, $0x16000;
	s7 =	sadd.s32 $0xA00, s2;
	[sflag:s18] =	ssyncadd.s32 $0xFFFFE000  }
0xeb: {  	[tilespmem:s8], [sflag:$0x5] =	stream.indirect.gather [hbm4b:s4+s25], $0x40, s7, s25, $0xb8;
	[tilespmem:$0x16400] =	vst v63  }
0xec: {  	s24 =	sadd.s32 $0x1000, s24;
	s30 =	simm.s32 $0x6400;
	_ =	swait.ge [sflag:s19], $0x2000  }
0xed: {  	s6 =	sadd.s32 $0x10000, s6;
	s8 =	rddreg [dreg:$0x9];
	[sflag:s19] =	ssyncset.done $0x0  }
.Ltmp0:
0xee: {  	[sflag:s19] =	ssyncadd.s32 $0xFFFFE000;
	s26 =	sadd.s32 s23, s8;
	(pc) =	sbr.rel @p0 .LBB2_2-.Ltmp0, $4  }
0xef: {  	[hbm4b:s26+s3] =	stream.linear.scatter [tilespmem:s9], [sflag:$0x10], $0x2000, $0x38;
	[tilespmem:$0x16400] =	vst v63  }
0xf0: {  	s1 =	simm.s32 $0x8400;
	s29 =	simm.s32 $0xA400;
	_ =	swait.ge [sflag:s20], $0x2000  }
0xf1: {  	s0 =	simm.s32 $0xC400;
	s5 =	simm.s32 $0xE400;
	[sflag:s20] =	ssyncset.done $0x0  }
0xf2: {  	s2 =	sadd.s32 $0xA80, s2;
	s23 =	sadd.s32 $0x2000, s23;
	[sflag:s20] =	ssyncadd.s32 $0xFFFFE000  }
0xf3: {  	s6 =	simm.s32 $0x10400;
	s26 =	simm.s32 $0x1  }
0xf4: {  	[tilespmem:s6], [sflag:$0x6] =	stream.indirect.gather [hbm4b:s4+s25], $0x40, s2, s25, $0xb8;
	[tilespmem:$0x16400] =	vst v63  }
0xf5: {  	_ =	swait.ge [sflag:s26], $0x2000  }
0xf6: {  	[sflag:s26] =	ssyncset.done $0x0  }
0xf7: {  	s7 =	rddreg [dreg:$0x14];
	[sflag:s26] =	ssyncadd.s32 $0xFFFFE000  }
0xf8: {  	[hbm4b:s7+s3] =	stream.linear.scatter [tilespmem:s30], [sflag:$0x9], $0x2000, $0x38;
	[tilespmem:$0x16400] =	vst v63  }
0xf9: {  	_ =	swait.ge [sflag:s21], $0x2000  }
0xfa: {  	s8 =	simm.s32 $0x6300;
	[sflag:s21] =	ssyncset.done $0x0  }
0xfb: {  	s9 =	simm.s32 $0x2;
	s7 =	simm.s32 $0x12400;
	[sflag:s21] =	ssyncadd.s32 $0xFFFFE000  }
0xfc: {  	[tilespmem:s7], [sflag:$0x7] =	stream.indirect.gather [hbm4b:s4+s25], $0x40, s8, s25, $0xb8;
	[tilespmem:$0x16400] =	vst v63  }
0xfd: {  	_ =	swait.ge [sflag:s9], $0x2000  }
0xfe: {  	[sflag:s9] =	ssyncset.done $0x0  }
0xff: {  	s23 =	rddreg [dreg:$0x15];
	[sflag:s9] =	ssyncadd.s32 $0xFFFFE000  }
0x100: {  	[hbm4b:s23+s3] =	stream.linear.scatter [tilespmem:s1], [sflag:$0xA], $0x2000, $0x38;
	[tilespmem:$0x16400] =	vst v63  }
0x101: {  	_ =	swait.ge [sflag:s22], $0x2000  }
0x102: {  	s24 =	simm.s32 $0x6380;
	[sflag:s22] =	ssyncset.done $0x0  }
0x103: {  	s26 =	simm.s32 $0x3;
	s1 =	simm.s32 $0x14400;
	[sflag:s22] =	ssyncadd.s32 $0xFFFFE000  }
0x104: {  	[tilespmem:s1], [sflag:$0x8] =	stream.indirect.gather [hbm4b:s4+s25], $0x40, s24, s25, $0xb8;
	[tilespmem:$0x16400] =	vst v63  }
0x105: {  	_ =	swait.ge [sflag:s26], $0x2000  }
0x106: {  	[sflag:s26] =	ssyncset.done $0x0  }
0x107: {  	s30 =	rddreg [dreg:$0x16];
	[sflag:s26] =	ssyncadd.s32 $0xFFFFE000  }
0x108: {  	[hbm4b:s30+s3] =	stream.linear.scatter [tilespmem:s29], [sflag:$0xB], $0x2000, $0x38;
	[tilespmem:$0x16400] =	vst v63  }
0x109: {  	_ =	swait.ge [sflag:s11], $0x2000  }
0x10a: {  	[sflag:s11] =	ssyncset.done $0x0  }
0x10b: {  	s8 =	rddreg [dreg:$0x17];
	[sflag:s11] =	ssyncadd.s32 $0xFFFFE000  }
0x10c: {  	[hbm4b:s8+s3] =	stream.linear.scatter [tilespmem:s0], [sflag:$0xC], $0x2000, $0x38;
	[tilespmem:$0x16400] =	vst v63  }
0x10d: {  	_ =	swait.ge [sflag:s13], $0x2000  }
0x10e: {  	[sflag:s13] =	ssyncset.done $0x0  }
0x10f: {  	s9 =	rddreg [dreg:$0x18];
	[sflag:s13] =	ssyncadd.s32 $0xFFFFE000  }
0x110: {  	[hbm4b:s9+s3] =	stream.linear.scatter [tilespmem:s5], [sflag:$0xD], $0x2000, $0x38;
	[tilespmem:$0x16400] =	vst v63  }
0x111: {  	_ =	swait.ge [sflag:s15], $0x2000  }
0x112: {  	[sflag:s15] =	ssyncset.done $0x0  }
0x113: {  	s23 =	rddreg [dreg:$0x19];
	[sflag:s15] =	ssyncadd.s32 $0xFFFFE000  }
0x114: {  	[hbm4b:s23+s3] =	stream.linear.scatter [tilespmem:s6], [sflag:$0xE], $0x2000, $0x38;
	[tilespmem:$0x16400] =	vst v63  }
0x115: {  	_ =	swait.ge [sflag:s17], $0x2000  }
0x116: {  	[sflag:s17] =	ssyncset.done $0x0  }
0x117: {  	s24 =	rddreg [dreg:$0x1a];
	[sflag:s17] =	ssyncadd.s32 $0xFFFFE000  }
0x118: {  	[hbm4b:s24+s3] =	stream.linear.scatter [tilespmem:s7], [sflag:$0xF], $0x2000, $0x38;
	[tilespmem:$0x16400] =	vst v63  }
0x119: {  	_ =	swait.ge [sflag:s19], $0x2000  }
0x11a: {  	[sflag:s19] =	ssyncset.done $0x0  }
0x11b: {  	s26 =	rddreg [dreg:$0x1b];
	[sflag:s19] =	ssyncadd.s32 $0xFFFFE000  }
0x11c: {  	[hbm4b:s26+s3] =	stream.linear.scatter [tilespmem:s1], [sflag:$0x10], $0x2000, $0x38;
	[tilespmem:$0x16400] =	vst v63  }
0x11d: {  	_ =	swait.ge [sflag:s10], $0x2000  }
0x11e: {  	[sflag:s10] =	ssyncset.done $0x0  }
0x11f: {  	[sflag:s10] =	ssyncadd.s32 $0xFFFFE000  }
0x120: {  	_ =	swait.ge [sflag:s12], $0x2000  }
0x121: {  	[sflag:s12] =	ssyncset.done $0x0  }
0x122: {  	[sflag:s12] =	ssyncadd.s32 $0xFFFFE000  }
0x123: {  	_ =	swait.ge [sflag:s14], $0x2000  }
0x124: {  	[sflag:s14] =	ssyncset.done $0x0  }
0x125: {  	[sflag:s14] =	ssyncadd.s32 $0xFFFFE000  }
0x126: {  	_ =	swait.ge [sflag:s16], $0x2000  }
0x127: {  	[sflag:s16] =	ssyncset.done $0x0  }
0x128: {  	[sflag:s16] =	ssyncadd.s32 $0xFFFFE000  }
0x129: {  	_ =	swait.ge [sflag:s18], $0x2000  }
0x12a: {  	[sflag:s18] =	ssyncset.done $0x0  }
0x12b: {  	[sflag:s18] =	ssyncadd.s32 $0xFFFFE000  }
0x12c: {  	_ =	swait.ge [sflag:s20], $0x2000  }
0x12d: {  	[sflag:s20] =	ssyncset.done $0x0  }
0x12e: {  	[sflag:s20] =	ssyncadd.s32 $0xFFFFE000  }
0x12f: {  	_ =	swait.ge [sflag:s21], $0x2000  }
0x130: {  	[sflag:s21] =	ssyncset.done $0x0  }
0x131: {  	[sflag:s21] =	ssyncadd.s32 $0xFFFFE000  }
0x132: {  	_ =	swait.ge [sflag:s22], $0x2000  }
0x133: {  	s29 =	rddreg [dreg:$0x1e]  }
0x134: {  	s30 =	rddreg [dreg:$0x1c];
	s0 =	sadd.s32 $0x1, s29  }
0x135: {  	p0 =	sne.s32 s0, s30  }
.Ltmp1:
0x136: {  	_ = 	snop;
	(pc) =	sbr.rel @p0 .LBB2_1-.Ltmp1, $3  }
0x137: {  	_ =	sdelay $0x1  }
0x138: {  	[sflag:s22] =	ssyncset.done $0x0  }
0x139: {  	s23 =	smov.u32 s28;
	[sflag:s22] =	ssyncadd.s32 $0xFFFFE000  }
0x13a: {  	_ =	sfence.sel $0x180000  }
0x13b: {  	[bflag:$0x0] =	sbarrier.arrive $0xFFFF  }
0x13c: {  	_ =	strace $0x90000047  }
0x13d: {  	s0 =	stileid.u32;
	[bflag:$0x2] =	sbarrier.arrive $0xFFFF  }
0x13e: {  	p0 =	sne.s32 s0, $0x0;
	s0 =	rddreg [dreg:$0x3]  }
0x13f: {  	s0 =	sadd.s32 @!p0 $0x100000, s0  }
0x140: {  	[sflag:s0] =	ssyncadd.tile.s32 @!p0 $0x1;
	_ =	shalt  }
.Lfunc_end2:
_tile_overlayer_lowered:
.L_overlay_start_2:
0x141: {  	(tag) =	ssettag $0x2  }
0x142: {  	s0 =	rddreg [dreg:$0x0];
	s2 =	stileid.u32  }
0x143: {  	s1 =	rddreg [dreg:$0x1];
	p0 =	sne.s32 s2, $0x0  }
0x144: {  	s3 =	rddreg [dreg:$0x2];
	[bflag:$0x3] =	sbarrier.arrive $0xFFFF;
	s2 =	simm.s32 @!p0 $0x1C11  }
0x145: {  	[timem:s3], [sflag:s2] =	dma.local @!p0 [hbm:s0], s1  }
0x146: {  	s0 =	simm.s32 @!p0 $0x11  }
0x147: {  	_ =	swait.ge @!p0 [sflag:s0], s1  }
0x148: {  	s1 =	ssub.s32 @!p0 $0x0, s1;
	[sflag:s0] =	ssyncset.done @!p0 $0x0  }
0x149: {  	[sflag:s0] =	ssyncadd.s32 @!p0 s1  }
0x14a: {  	[bflag:$0x3] =	sbarrier.arrive $0xFFFF  }
0x14b: {  	_ =	shalt  }

// kernel: sparse-core-data-format-call.cloned.1.call-start
scs
called_computation_lowered:
.L_overlay_start_0:
0x0: {  	s2 =	sld [smem:$0x3FD9]  }
0x1: {  	s3 =	sld [smem:$0x3FFE];
	_ =	sdelay $0x1  }
0x2: {  	s1 =	srdreg.scid  }
0x3: {  	s0 =	sand.u32 $0x1, s1  }
0x4: {  	s18 =	sshll.u32 s0, $0xA;
	s2 =	sadd.s32 s3, s2  }
0x5: {  	s2 =	sadd.s32 s2, s18  }
0x6: {  	[smem:$0x3FC6] =	sst s2  }
0x7: {  	_ = 	snop  }
0x8: {  	s2 =	sld [smem:$0x3FD0];
	(tm) =	ssettm $0x1  }
0x9: {  	s19 =	sld [smem:$0x3FFB];
	_ =	sdelay $0x3  }
0xa: {  	_ =	strace s19  }
0xb: {  	s3 =	sld [smem:$0x3FFC];
	_ =	sdelay $0x3  }
0xc: {  	_ =	strace s3  }
0xd: {  	s3 =	sld [smem:$0x3FFD];
	_ =	sdelay $0x3  }
0xe: {  	_ =	strace s3  }
0xf: {  	_ =	strace $0x8FFFFFFF  }
0x10: {  	s20 =	sld [smem:$0x3FDB];
	_ =	sdelay $0x1  }
0x11: {  	s4 =	simm.s32 $_scs_section_size  }
0x12: {  	s5 =	simm.s32 $_size__tile_overlayer_lowered;
	s6 =	simm.s32 $_tile_overlayer_lowered  }
0x13: {  	s23 =	simm.s32 $0x1BFF;
	s22 =	sshll.u32 s6, $0x1;
	s3 =	sadd.s32 s4, s20  }
0x14: {  	s7 =	simm.s32 $0x0;
	s21 =	sshll.u32 s5, $0x1;
	s5 =	sadd.s32 s22, s3  }
0x15: {  	[timem:s7], [sflag:s23] =	dma.local [hbm:s5], s21  }
0x16: {  	_ =	swait.ge [sflag:s23], s21  }
0x17: {  	s4 =	ssub.s32 $0x0, s21;
	[sflag:s23] =	ssyncset.done $0x0  }
0x18: {  	[sflag:s23] =	ssyncadd.s32 s4;
	_ =	sdelay $0x1  }
0x19: {  	s24 =	simm.s32 $0x1B8B  }
0x1a: {  	_ =	swait.ge [sflag:s24], $0x1  }
0x1b: {  	[sflag:s24] =	ssyncset.done $0x0  }
0x1c: {  	s26 =	simm.s32 $0x1B8E;
	s25 =	sld [smem:$0x3FFE];
	[sflag:s24] =	ssyncadd.s32 $0xFFFFFFFF  }
0x1d: {  	s27 =	simm.s32 $execute0_lowered;
	[smem:$0x3FD2] =	sst s26  }
0x1e: {  	s5 =	sshll.u32 s27, $0x1;
	_ =	strace $0x80000049;
	[dreg:$0x1] =	wrdreg $0xFFFFFFFF  }
0x1f: {  	s28 =	simm.s32 $_size_execute0_lowered;
	s3 =	sadd.s32 s3, s5;
	[dreg:$0x0] =	wrdreg $0x0  }
0x20: {  	s5 =	sshll.u32 s28, $0x1;
	[dreg:$0x2] =	wrdreg s3  }
0x21: {  	[dreg:$0x3] =	wrdreg s5  }
0x22: {  	[dreg:$0x4] =	wrdreg $0xC0  }
0x23: {  	_ =	task [dreg:s7], $0x5FFFF  }
0x24: {  	[dreg:$0x1] =	wrdreg $0xFFFFFFFF  }
0x25: {  	[dreg:$0x0] =	wrdreg $0x60  }
0x26: {  	[dreg:$0x2] =	wrdreg s25  }
0x27: {  	[dreg:$0x3] =	wrdreg s2  }
0x28: {  	[dreg:$0x4] =	wrdreg $0x9  }
0x29: {  	_ =	task.clear_ibuf [dreg:s7], $0x5FFFF;
	_ =	strace $0x90000049  }
0x2a: {  	s29 =	simm.s32 $0x9;
	_ =	strace $0x8000004B  }
0x2b: {  	_ =	swait.ge [sflag:s29], $0x1  }
0x2c: {  	[sflag:s29] =	ssyncadd.s32 $0xFFFFFFFF  }
0x2d: {  	_ =	strace $0x9000004B  }
0x2e: {  	_ =	sfence  }
0x2f: {  	s30 =	sld [smem:$0x0];
	_ =	sdelay $0x2  }
0x30: {  	s31 =	sshll.u32 s1, $0xD;
	s1 =	sshrl.u32 s1, $0x2  }
0x31: {  	s3 =	sand.u32 $0x4000, s31;
	s1 =	sadd.s32 s1, s30  }
0x32: {  	s0 =	sor.u32 s3, s0;
	s1 =	sshll.u32 s1, $0x11  }
0x33: {  	s0 =	sor.u32 s1, s0  }
0x34: {  	s0 =	sadd.s32 $0x8F2B, s0  }
0x35: {  	[sflag:s0] =	ssyncadd.remote.s32 $0x1  }
0x36: {  	_ =	sfence.sel $0xFFFF  }
0x37: {  	[dreg:$0x0] =	wrdreg $0xFFFFFFFF;
	(pc) =	sbr.abs _section_cstart, $3  }
0x38: {  	[dreg:$0x1] =	wrdreg $0xFFFFFFFF  }
0x39: {  	_ =	task.clear_ibuf [dreg:s7], $0x2FFFF;
	_ =	strace $0x9FFFFFFF  }
0x3a: {  	(tm) =	ssettm $0x7FFFFFFF  }
0x3b: {  	_ =	shalt  }
tec
execute0_lowered:
.L_overlay_start_1:
0x0: {  	(tag) =	ssettag $0x1  }
0x1: {  	s0 =	srdreg.scid  }
0x2: {  	s1 =	sshll.u32 s0, $0x4  }
0x3: {  	s4 =	rddreg [dreg:$0x0];
	s0 =	stileid.u32;
	s1 =	sand.u32 $0x10, s1  }
0x4: {  	s2 =	rddreg [dreg:$0x1];
	s7 =	simm.s32 $0x1;
	s1 =	sor.u32 s0, s1  }
0x5: {  	s8 =	simm.s32 $0x2;
	s11 =	simm.s32 $0x0;
	s3 =	sshll.u32 s1, $0x7  }
0x6: {  	s10 =	simm.s32 $0x0;
	s4 =	sadd.s32 $0x800, s4;
	s6 =	ssub.s32 $0xC8000, s3  }
.Ltmp0:
0x7: {  	s1 =	rddreg [dreg:$0x2];
	s5 =	sand.u32 $0xF80, s6;
	(pc) =	sbr.rel .LBB1_1-.Ltmp0, $4  }
0x8: {  	_ =	strace $0x8000004A;
	s9 =	smov.u32 s3;
	p0 =	sne.s32 s5, $0x0  }
0x9: {  	s6 =	sshrl.u32 s6, $0xC;
	s5 =	simm.s32 $0x1;
	s7 =	simm.s32 @!p0 $0x0  }
0xa: {  	[sflag:s5] =	ssyncpa.u1 $0x0;
	p0 =	por $0x0, $0x0;
	s6 =	sadd.s32 s7, s6  }
0xb: {  	[sflag:s8] =	ssyncpa.u1 $0x0;
	s8 =	simm.s32 $0x640000;
	s7 =	sadd.s32 $0x1, s6  }
.LBB1_4:
0xc: {  	s14 =	sshll.u32 s11, $0x3  }
0xd: {  	s30 =	sand.u32 $0x7F, s11;
	s15 =	sand.u32 $0xFFFFFC00, s14  }
0xe: {  	s11 =	sor.u32 s30, s15  }
0xf: {  	s15 =	smulhi.u32 $0x51EB851F, s11  }
0x10: {  	s14 =	smulhi.u32 $0x51EB851F, s14  }
0x11: {  	s15 =	sshrl.u32 s15, $0x12  }
0x12: {  	s14 =	sshrl.u32 s14, $0x12;
	s15 =	smul.u32 $0xC8000, s15  }
0x13: {  	s14 =	sand.u32 $0x3F, s14  }
0x14: {  	s14 =	smul.u32 $0x19000, s14;
	s11 =	ssub.s32 s11, s15  }
0x15: {  	[tilespmem:s13+$0x810 ss:$0x81] =	vst.msk $0xffff, v2;
	s15 =	sand.u32 $0x7, s11  }
0x16: {  	[tilespmem:s13+$0x1020 ss:$0x81] =	vst.msk $0xffff, v0;
	s14 =	sadd.s32 s2, s14;
	s11 =	sshrl.u32 s11, $0x3;
	s15 =	sshll.u32 s15, $0x12  }
0x17: {  	[tilespmem:s13+$0x0 ss:$0x81] =	vst.msk $0xffff, v1;
	s11 =	sadd.s32 s11, s14;
	s31 =	sor.u32 $0x400, s15  }
0x18: {  	[hbm4b:s11+s31] =	stream.strided.scatter [tilespmem:s12], [sflag:$0x2], $0x2000, s8, s31, $0x20;
	[tilespmem:$0x8080] =	vst v63  }
.LBB1_5:
0x19: {  	s13 =	sadd.s32 $0x1000, s9  }
0x1a: {  	p2 =	sgt.s32 s13, $0xC7FFF  }
0x1b: {  	s13 =	smov.u32 @p2 s3;
	p2 =	sne.s32 s10, s7  }
.Ltmp1:
0x1c: {  	p1 =	slt.u32 s10, $0x2;
	(pc) =	sbr.rel @!p2 .LBB1_6-.Ltmp1, $4  }
0x1d: {  	s12 =	simm.s32 @!p1 $0x2  }
0x1e: {  	s14 =	sadd.s32 $0x1, s10;
	_ =	swait.ge @!p1 [sflag:s12], $0x2000  }
0x1f: {  	s11 =	smov.u32 s9;
	p0 =	por !p0, !p0;
	[sflag:s12] =	ssyncset.done @!p1 $0x0  }
0x20: {  	s10 =	smov.u32 s14;
	s9 =	smov.u32 s13;
	[sflag:s12] =	ssyncadd.s32 @!p1 $0xFFFFE000  }
.LBB1_1:
0x21: {  	p1 =	sge.u32 s10, s6  }
0x22: {  	s12 =	sand.u32 @!p1 $0x1FFFFFF, s9  }
0x23: {  	s13 =	smulhi.u32 @!p1 $0x147AE15, s12;
	_ =	sdelay $0x1  }
0x24: {  	s13 =	sshrl.u32 @!p1 s13, $0xC  }
0x25: {  	s13 =	smul.u32 @!p1 $0xC8000, s13;
	_ =	sdelay $0x1  }
0x26: {  	s31 =	sadd.s32 $0xFFFFFFFF, s10;
	s14 =	sxor.u32 @!p1 $0xFFFFFFFF, s10;
	s12 =	ssub.s32 @!p1 s12, s13  }
0x27: {  	s15 =	simm.s32 @!p1 $0x80;
	s14 =	sshll.u32 @!p1 s14, $0xD;
	s12 =	sshll.u32 @!p1 s12, $0x4  }
0x28: {  	s13 =	sand.u32 @!p1 $0x2000, s14;
	s14 =	simm.s32 @!p1 $0x40;
	s12 =	sadd.s32 @!p1 s4, s12  }
0x29: {  	[tilespmem:s13], [sflag:$0x1] =	stream.strided.gather @!p1 [hbm4b:s12+s14], $0x2000, s15, s14, $0x38;
	[tilespmem:$0x8080] =	vst v63  }
0x2a: {  	p1 =	sge.u32 s31, s6  }
.Ltmp2:
0x2b: {  	_ = 	snop;
	(pc) =	sbr.rel @p1 .LBB1_5-.Ltmp2, $1  }
0x2c: {  	_ =	sdelay $0x3  }
0x2d: {  	s12 =	simm.s32 $0x1  }
0x2e: {  	_ =	swait.ge [sflag:s5], $0x2000;
	s12 =	simm.s32 @!p0 $0x0  }
0x2f: {  	[sflag:s5] =	ssyncset.done $0x0;
	s13 =	sshll.u32 s12, $0xD  }
0x30: {  	[sflag:s5] =	ssyncadd.s32 $0xFFFFE000;
	s16 =	sor.u32 $0x20, s13  }
0x31: {  	s12 =	smul.u32 $0x8100, s12;
	v3 =	vld [tilespmem:s16+$0x10]  }
0x32: {  	s30 =	sand.u32 $0x1, s10;
	v2 =	vld [tilespmem:s16+$0xFFFFFFF0]  }
0x33: {  	s13 =	smul.u32 $0x8100, s30;
	s12 =	sshrl.u32 s12, $0x2;
	v0 =	vld [tilespmem:s16+$0x0]  }
0x34: {  	v1 =	vld [tilespmem:s16+$0xFFFFFFE0];
	s14 =	sor.u32 $0x4000, s12  }
0x35: {  	s31 =	sshrl.u32 s13, $0x2;
	s13 =	sadd.s32 $0x0, s14  }
0x36: {  	s15 =	simm.s32 $0x4;
	s16 =	sadd.s32 $0x40, s16;
	s12 =	sor.u32 $0x4000, s31;
	[tilespmem:s13+$0x1830 ss:$0x81] =	vst.msk $0xffff, v3  }
.LBB1_3:
0x37: {  	v3 =	vld [tilespmem:s16+$0x10];
	p1 =	sne.s32 s15, $0x1FC;
	[tilespmem:s13+$0x810 ss:$0x81] =	vst.msk $0xffff, v2;
	s17 =	smov.u32 s15;
	s15 =	sadd.s32 $0x4, s15  }
.Ltmp3:
0x38: {  	v2 =	vld [tilespmem:s16+$0xFFFFFFF0];
	[tilespmem:s13+$0x1020 ss:$0x81] =	vst.msk $0xffff, v0;
	(pc) =	sbr.rel @p1 .LBB1_3-.Ltmp3, $4  }
0x39: {  	v0 =	vld [tilespmem:s16+$0x0];
	[tilespmem:s13+$0x0 ss:$0x81] =	vst.msk $0xffff, v1  }
0x3a: {  	s13 =	sshra.s32 s17, $0x2;
	v1 =	vld [tilespmem:s16+$0xFFFFFFE0]  }
0x3b: {  	s13 =	sadd.s32 s13, s14  }
0x3c: {  	s16 =	sadd.s32 $0x40, s16;
	[tilespmem:s13+$0x1830 ss:$0x81] =	vst.msk $0xffff, v3  }
.Ltmp4:
0x3d: {  	_ = 	snop;
	(pc) =	sbr.rel .LBB1_4-.Ltmp4, $1  }
0x3e: {  	_ =	sdelay $0x3  }
.LBB1_6:
0x3f: {  	_ =	sfence.sel $0x180000  }
0x40: {  	s2 =	simm.s32 $0x1;
	[bflag:$0x0] =	sbarrier.arrive $0xFFFF  }
0x41: {  	s31 =	simm.s32 $0x2;
	[sflag:s2] =	ssyncpa.u1 $0x1  }
0x42: {  	[sflag:s31] =	ssyncpa.u1 $0x1  }
0x43: {  	p0 =	sne.s32 s0, $0x0;
	_ =	strace $0x9000004A  }
0x44: {  	s0 =	sadd.s32 @!p0 $0x100000, s1;
	[bflag:$0x2] =	sbarrier.arrive $0xFFFF  }
0x45: {  	[sflag:s0] =	ssyncadd.tile.s32 @!p0 $0x1;
	_ =	shalt  }
.Lfunc_end1:
_tile_overlayer_lowered:
.L_overlay_start_2:
0x46: {  	(tag) =	ssettag $0x2  }
0x47: {  	s0 =	rddreg [dreg:$0x0];
	s2 =	stileid.u32  }
0x48: {  	s1 =	rddreg [dreg:$0x1];
	p0 =	sne.s32 s2, $0x0  }
0x49: {  	s3 =	rddreg [dreg:$0x2];
	[bflag:$0x3] =	sbarrier.arrive $0xFFFF;
	s2 =	simm.s32 @!p0 $0x1C01  }
0x4a: {  	[timem:s3], [sflag:s2] =	dma.local @!p0 [hbm:s0], s1  }
0x4b: {  	s0 =	simm.s32 @!p0 $0x1  }
0x4c: {  	_ =	swait.ge @!p0 [sflag:s0], s1  }
0x4d: {  	s1 =	ssub.s32 @!p0 $0x0, s1;
	[sflag:s0] =	ssyncset.done @!p0 $0x0  }
0x4e: {  	[sflag:s0] =	ssyncadd.s32 @!p0 s1  }
0x4f: {  	[bflag:$0x3] =	sbarrier.arrive $0xFFFF  }
0x50: {  	_ =	shalt  }

</sc_bundles>
